<compile_context>
chip_gen: v7x
topology: tpu7x:2x2x1
jax: 0.10.2.dev20260603
libtpu: 0.0.44.dev20260713+nightly
codegen_flags: <defaults>
</compile_context>

<pallas_src>
import jax
import jax.numpy as jnp
from jax import lax
from jax.experimental import pallas as pl
from jax.experimental.pallas import tpu as pltpu
from jax.experimental.pallas import tpu_sc as plsc

_B = 65536
_SIN = 64
_SOUT = 256
_L = 16
_NC = 2
_NS = 16
_NW = _NC * _NS
_ROWS_PER_W = _B // _NW
_CHUNK = 128
_NCHUNK = _ROWS_PER_W // _CHUNK
_UNROLL = 4
_NBUF = 2


def _sc_body(x_hbm, w_hbm, no_hbm, out_hbm, no_v, w_v, xbuf, obuf, *sems):
    isems = sems[:2]
    osems = sems[2:]
    wid = lax.axis_index("s") * _NC + lax.axis_index("c")
    base = wid * _ROWS_PER_W

    for b in range(2):
        pltpu.async_copy(
            x_hbm.at[pl.ds(base + b * _CHUNK, _CHUNK)], xbuf.at[b], isems[b]
        )

    pltpu.sync_copy(no_hbm, no_v)
    pltpu.sync_copy(w_hbm, w_v)
    nov = [no_v[pl.ds(k * _L, _L)] for k in range(_SIN // _L)]
    wv = [w_v[pl.ds(k * _L, _L)] for k in range(_SIN // _L)]

    zf = jnp.zeros((_L,), jnp.float32)

    def zero_body(r, c):
        for b in range(_NBUF):
            for j in range(_SOUT // _L):
                obuf[b, r, pl.ds(j * _L, _L)] = zf
        return c

    lax.fori_loop(0, _CHUNK, zero_body, 0)

    _PH = 2

    def outer(t, carry):
        for ph in range(_PH):
            chunk = _PH * t + ph
            bi = ph % 2
            bo = ph % _NBUF
            r0 = base + chunk * _CHUNK
            pltpu.make_async_copy(
                x_hbm.at[pl.ds(r0, _CHUNK)], xbuf.at[bi], isems[bi]
            ).wait()

            @pl.when(chunk >= _NBUF)
            def _wait_out():
                pltpu.make_async_copy(
                    obuf.at[bo], out_hbm.at[pl.ds(r0, _CHUNK)], osems[bo]
                ).wait()

            def row_body(i, cc, bi=bi, bo=bo):
                r = i * _UNROLL
                for u in range(_UNROLL):
                    rs = jnp.full((_L,), r + u, jnp.int32)
                    for k in range(_SIN // _L):
                        v = xbuf[bi, r + u, pl.ds(k * _L, _L)] * wv[k]
                        plsc.store_scatter(obuf.at[bo], [rs, nov[k]], v)
                return cc

            lax.fori_loop(0, _CHUNK // _UNROLL, row_body, 0)

            pltpu.async_copy(obuf.at[bo], out_hbm.at[pl.ds(r0, _CHUNK)], osems[bo])

            @pl.when(chunk + 2 < _NCHUNK)
            def _next_in():
                pltpu.async_copy(
                    x_hbm.at[pl.ds(r0 + 2 * _CHUNK, _CHUNK)], xbuf.at[bi], isems[bi]
                )

        return carry

    lax.fori_loop(0, _NCHUNK // _PH, outer, 0)

    for b in range(_NBUF):
        pltpu.make_async_copy(
            obuf.at[b], out_hbm.at[pl.ds(base, _CHUNK)], osems[b]
        ).wait()


def _make_sc_call():
    return pl.kernel(
        _sc_body,
        name="scatter_cols",
        out_type=jax.ShapeDtypeStruct((_B, _SOUT), jnp.float32),
        mesh=plsc.VectorSubcoreMesh(
            core_axis_name="c", subcore_axis_name="s", num_cores=_NC, num_subcores=_NS
        ),
        compiler_params=pltpu.CompilerParams(needs_layout_passes=False),
        scratch_types=(
            [
                pltpu.VMEM((_SIN,), jnp.int32),
                pltpu.VMEM((_SIN,), jnp.float32),
                pltpu.VMEM((2, _CHUNK, _SIN), jnp.float32),
                pltpu.VMEM((_NBUF, _CHUNK, _SOUT), jnp.float32),
            ]
            + [pltpu.SemaphoreType.DMA] * (2 + _NBUF)
        ),
    )


@jax.jit
def kernel(x, weights, node_order):
    return _make_sc_call()(x, weights, node_order)

# --- scband reference (transcript-rebuilt; emitter-appended) ---
"""Pipeline reference for scband-project-input-89558658056193 (READ-ONLY COPY).

The authoritative reference and input builder live on the scoring server;
editing this copy changes nothing except your own understanding.
"""

import jax, jax.numpy as jnp
import numpy as np

NODE_LIST = list(range(256))
INPUT_NAMES = list(range(0, 256, 4))
PROJ_AMP = 0.01
SIZE_OUT = len(NODE_LIST)
SIZE_IN = len(INPUT_NAMES)
BATCH = 65536


def _node_order():
    dictionary = {n: i for i, n in enumerate(NODE_LIST)}
    return jnp.asarray(np.array([dictionary[x] for x in INPUT_NAMES], dtype=np.int32))


def setup_inputs(seed: int = 0) -> dict:
    key = jax.random.key(seed)
    x = jax.random.normal(key, (BATCH, SIZE_IN), dtype=jnp.float32)
    # learned parameter: weights initialized to projectionAmplitude * ones
    weights = PROJ_AMP * jnp.ones((SIZE_IN,), dtype=jnp.float32)
    node_order = _node_order()
    return {"x": x, "weights": weights, "node_order": node_order}


def reference(x, weights, node_order):
    # curIn = zeros([B, size_out]); curIn[:, nodeOrder] = weights * x
    B = x.shape[0]
    curIn = jnp.zeros((B, SIZE_OUT), dtype=x.dtype)
    curIn = curIn.at[:, node_order].set(weights * x)
    return curIn

if __name__ == "__main__":
    import jax
    _d = setup_inputs()
    print(jax.jit(kernel)(*tuple(_d.values())))

</pallas_src>

<mosaic_0001>
#map = affine_map<(d0, d1) -> (0, 0)>
#map1 = affine_map<(d0, d1) -> (0)>
module attributes {stable_mosaic.version = 14 : i64} {
  func.func @scatter_cols(%arg0: i32, %arg1: i32, %arg2: memref<65536x64xf32, #tpu.memory_space<hbm>>, %arg3: memref<64xf32, #tpu.memory_space<hbm>>, %arg4: memref<64xi32, #tpu.memory_space<hbm>>, %arg5: memref<65536x256xf32, #tpu.memory_space<hbm>>, %arg6: memref<64xi32, #tpu.memory_space<vmem>>, %arg7: memref<64xf32, #tpu.memory_space<vmem>>, %arg8: memref<2x128x64xf32, #tpu.memory_space<vmem>>, %arg9: memref<2x128x256xf32, #tpu.memory_space<vmem>>, %arg10: memref<!tpu.dma_semaphore, #tpu.memory_space<semaphore_mem>>, %arg11: memref<!tpu.dma_semaphore, #tpu.memory_space<semaphore_mem>>, %arg12: memref<!tpu.dma_semaphore, #tpu.memory_space<semaphore_mem>>, %arg13: memref<!tpu.dma_semaphore, #tpu.memory_space<semaphore_mem>>) attributes {dimension_semantics = [#tpu.dimension_semantics<core_parallel>, #tpu.dimension_semantics<subcore_parallel>], iteration_bounds = array<i64: 2, 16>, scalar_prefetch = 0 : i64, scratch_operands = 8 : i64, tpu.core_type = #tpu.core_type<sc_vector_subcore>, window_params = [{transform_indices = #map}, {transform_indices = #map1}, {transform_indices = #map1}, {transform_indices = #map}]} {
    %mul3A = arith.constant 2 : i32
    %mul3A_0 = arith.muli %arg1, %mul3A : i32
    %add3A = arith.addi %mul3A_0, %arg0 : i32
    %mul3A_1 = arith.constant 2048 : i32
    %mul3A_2 = arith.muli %add3A, %mul3A_1 : i32
    %add3A_3 = arith.constant 0 : i32
    %add3A_4 = arith.addi %mul3A_2, %add3A_3 : i32
    %dma_start3A = arith.constant 0 : i32
    %dma_start3A_5 = arith.constant 0 : i32
    %dma_start3A_6 = arith.constant 0 : i32
    %dma_start3A_7 = tpu.memref_slice %arg8[%dma_start3A, %dma_start3A_5, %dma_start3A_6] : memref<2x128x64xf32, #tpu.memory_space<vmem>> -> memref<1x128x64xf32, #tpu.memory_space<vmem>>
    %dma_start3A_8 = tpu.memref_squeeze %dma_start3A_7 : memref<1x128x64xf32, #tpu.memory_space<vmem>> -> memref<128x64xf32, #tpu.memory_space<vmem>>
    %dma_start3A_9 = arith.constant 0 : i32
    %dma_start3A_10 = tpu.memref_slice %arg2[%add3A_4, %dma_start3A_9] : memref<65536x64xf32, #tpu.memory_space<hbm>> -> memref<128x64xf32, #tpu.memory_space<hbm>>
    %dma_start3A_11 = arith.constant 0 : i32
    %dma_start3A_12 = arith.constant 0 : i32
    %dma_start3A_13 = tpu.memref_slice %arg8[%dma_start3A, %dma_start3A_11, %dma_start3A_12] : memref<2x128x64xf32, #tpu.memory_space<vmem>> -> memref<1x128x64xf32, #tpu.memory_space<vmem>>
    %dma_start3A_14 = tpu.memref_squeeze %dma_start3A_13 : memref<1x128x64xf32, #tpu.memory_space<vmem>> -> memref<128x64xf32, #tpu.memory_space<vmem>>
    %dma_start3A_15 = arith.constant 0 : i32
    %dma_start3A_16 = tpu.memref_slice %arg2[%add3A_4, %dma_start3A_15] : memref<65536x64xf32, #tpu.memory_space<hbm>> -> memref<128x64xf32, #tpu.memory_space<hbm>>
    tpu.enqueue_dma source(%dma_start3A_16 : memref<128x64xf32, #tpu.memory_space<hbm>>) target(%dma_start3A_14 : memref<128x64xf32, #tpu.memory_space<vmem>>) target_semaphore(%arg10 : memref<!tpu.dma_semaphore, #tpu.memory_space<semaphore_mem>>)
    %add3A_17 = arith.constant 128 : i32
    %add3A_18 = arith.addi %mul3A_2, %add3A_17 : i32
    %dma_start3A_19 = arith.constant 1 : i32
    %dma_start3A_20 = arith.constant 0 : i32
    %dma_start3A_21 = arith.constant 0 : i32
    %dma_start3A_22 = tpu.memref_slice %arg8[%dma_start3A_19, %dma_start3A_20, %dma_start3A_21] : memref<2x128x64xf32, #tpu.memory_space<vmem>> -> memref<1x128x64xf32, #tpu.memory_space<vmem>>
    %dma_start3A_23 = tpu.memref_squeeze %dma_start3A_22 : memref<1x128x64xf32, #tpu.memory_space<vmem>> -> memref<128x64xf32, #tpu.memory_space<vmem>>
    %dma_start3A_24 = arith.constant 0 : i32
    %dma_start3A_25 = tpu.memref_slice %arg2[%add3A_18, %dma_start3A_24] : memref<65536x64xf32, #tpu.memory_space<hbm>> -> memref<128x64xf32, #tpu.memory_space<hbm>>
    %dma_start3A_26 = arith.constant 0 : i32
    %dma_start3A_27 = arith.constant 0 : i32
    %dma_start3A_28 = tpu.memref_slice %arg8[%dma_start3A_19, %dma_start3A_26, %dma_start3A_27] : memref<2x128x64xf32, #tpu.memory_space<vmem>> -> memref<1x128x64xf32, #tpu.memory_space<vmem>>
    %dma_start3A_29 = tpu.memref_squeeze %dma_start3A_28 : memref<1x128x64xf32, #tpu.memory_space<vmem>> -> memref<128x64xf32, #tpu.memory_space<vmem>>
    %dma_start3A_30 = arith.constant 0 : i32
    %dma_start3A_31 = tpu.memref_slice %arg2[%add3A_18, %dma_start3A_30] : memref<65536x64xf32, #tpu.memory_space<hbm>> -> memref<128x64xf32, #tpu.memory_space<hbm>>
    tpu.enqueue_dma source(%dma_start3A_31 : memref<128x64xf32, #tpu.memory_space<hbm>>) target(%dma_start3A_29 : memref<128x64xf32, #tpu.memory_space<vmem>>) target_semaphore(%arg11 : memref<!tpu.dma_semaphore, #tpu.memory_space<semaphore_mem>>)
    "tpu.region"() ({
      %run_scoped3A = tpu.sem_alloc : memref<!tpu.dma_semaphore, #tpu.memory_space<semaphore_mem>>
      tpu.enqueue_dma source(%arg4 : memref<64xi32, #tpu.memory_space<hbm>>) target(%arg6 : memref<64xi32, #tpu.memory_space<vmem>>) target_semaphore(%run_scoped3A : memref<!tpu.dma_semaphore, #tpu.memory_space<semaphore_mem>>)
      tpu.wait_dma2 semaphore(%run_scoped3A : memref<!tpu.dma_semaphore, #tpu.memory_space<semaphore_mem>>) src(%arg4 : memref<64xi32, #tpu.memory_space<hbm>>) dst(%arg6 : memref<64xi32, #tpu.memory_space<vmem>>)
      tpu.yield
    }) : () -> ()
    "tpu.region"() ({
      %run_scoped3A = tpu.sem_alloc : memref<!tpu.dma_semaphore, #tpu.memory_space<semaphore_mem>>
      tpu.enqueue_dma source(%arg3 : memref<64xf32, #tpu.memory_space<hbm>>) target(%arg7 : memref<64xf32, #tpu.memory_space<vmem>>) target_semaphore(%run_scoped3A : memref<!tpu.dma_semaphore, #tpu.memory_space<semaphore_mem>>)
      tpu.wait_dma2 semaphore(%run_scoped3A : memref<!tpu.dma_semaphore, #tpu.memory_space<semaphore_mem>>) src(%arg3 : memref<64xf32, #tpu.memory_space<hbm>>) dst(%arg7 : memref<64xf32, #tpu.memory_space<vmem>>)
      tpu.yield
    }) : () -> ()
    %get3A = arith.constant 0 : index
    %get3A_32 = tpu.vector_load %arg6[%get3A] {strides = array<i32>} : memref<64xi32, #tpu.memory_space<vmem>>, vector<16xi32>,
    %get3A_33 = arith.constant 16 : index
    %get3A_34 = tpu.vector_load %arg6[%get3A_33] {strides = array<i32>} : memref<64xi32, #tpu.memory_space<vmem>>, vector<16xi32>,
    %get3A_35 = arith.constant 32 : index
    %get3A_36 = tpu.vector_load %arg6[%get3A_35] {strides = array<i32>} : memref<64xi32, #tpu.memory_space<vmem>>, vector<16xi32>,
    %get3A_37 = arith.constant 48 : index
    %get3A_38 = tpu.vector_load %arg6[%get3A_37] {strides = array<i32>} : memref<64xi32, #tpu.memory_space<vmem>>, vector<16xi32>,
    %get3A_39 = arith.constant 0 : index
    %get3A_40 = tpu.vector_load %arg7[%get3A_39] {strides = array<i32>} : memref<64xf32, #tpu.memory_space<vmem>>, vector<16xf32>,
    %get3A_41 = arith.constant 16 : index
    %get3A_42 = tpu.vector_load %arg7[%get3A_41] {strides = array<i32>} : memref<64xf32, #tpu.memory_space<vmem>>, vector<16xf32>,
    %get3A_43 = arith.constant 32 : index
    %get3A_44 = tpu.vector_load %arg7[%get3A_43] {strides = array<i32>} : memref<64xf32, #tpu.memory_space<vmem>>, vector<16xf32>,
    %get3A_45 = arith.constant 48 : index
    %get3A_46 = tpu.vector_load %arg7[%get3A_45] {strides = array<i32>} : memref<64xf32, #tpu.memory_space<vmem>>, vector<16xf32>,
    %broadcast_in_dim3A = arith.constant 0.000000e+00 : f32
    %broadcast_in_dim3A_47 = vector.broadcast %broadcast_in_dim3A : f32 to vector<16xf32>
    %scan3A = arith.constant 0 : i32
    %scan3A_48 = arith.constant 0 : i32
    %scan3A_49 = arith.constant 128 : i32
    %scan3A_50 = arith.addi %scan3A_48, %scan3A_49 : i32
    %scan3A_51 = arith.constant 1 : i32
    scf.for %scan3A_84 = %scan3A_48 to %scan3A_50 step %scan3A_51  : i32 {
      %swap3A = arith.constant 0 : i32
      %swap3A_85 = arith.index_cast %swap3A : i32 to index
      %swap3A_86 = arith.index_cast %scan3A_84 : i32 to index
      %swap3A_87 = arith.constant 0 : index
      %swap3A_88 = tpu.vector_load %arg9[%swap3A_85, %swap3A_86, %swap3A_87] {strides = array<i32>} : memref<2x128x256xf32, #tpu.memory_space<vmem>>, vector<16xf32>,
      tpu.vector_store %arg9[%swap3A_85, %swap3A_86, %swap3A_87], %broadcast_in_dim3A_47 {strides = array<i32>} : memref<2x128x256xf32, #tpu.memory_space<vmem>>, vector<16xf32>,
      %swap3A_89 = arith.constant 0 : i32
      %swap3A_90 = arith.index_cast %swap3A_89 : i32 to index
      %swap3A_91 = arith.index_cast %scan3A_84 : i32 to index
      %swap3A_92 = arith.constant 16 : index
      %swap3A_93 = tpu.vector_load %arg9[%swap3A_90, %swap3A_91, %swap3A_92] {strides = array<i32>} : memref<2x128x256xf32, #tpu.memory_space<vmem>>, vector<16xf32>,
      tpu.vector_store %arg9[%swap3A_90, %swap3A_91, %swap3A_92], %broadcast_in_dim3A_47 {strides = array<i32>} : memref<2x128x256xf32, #tpu.memory_space<vmem>>, vector<16xf32>,
      %swap3A_94 = arith.constant 0 : i32
      %swap3A_95 = arith.index_cast %swap3A_94 : i32 to index
      %swap3A_96 = arith.index_cast %scan3A_84 : i32 to index
      %swap3A_97 = arith.constant 32 : index
      %swap3A_98 = tpu.vector_load %arg9[%swap3A_95, %swap3A_96, %swap3A_97] {strides = array<i32>} : memref<2x128x256xf32, #tpu.memory_space<vmem>>, vector<16xf32>,
      tpu.vector_store %arg9[%swap3A_95, %swap3A_96, %swap3A_97], %broadcast_in_dim3A_47 {strides = array<i32>} : memref<2x128x256xf32, #tpu.memory_space<vmem>>, vector<16xf32>,
      %swap3A_99 = arith.constant 0 : i32
      %swap3A_100 = arith.index_cast %swap3A_99 : i32 to index
      %swap3A_101 = arith.index_cast %scan3A_84 : i32 to index
      %swap3A_102 = arith.constant 48 : index
      %swap3A_103 = tpu.vector_load %arg9[%swap3A_100, %swap3A_101, %swap3A_102] {strides = array<i32>} : memref<2x128x256xf32, #tpu.memory_space<vmem>>, vector<16xf32>,
      tpu.vector_store %arg9[%swap3A_100, %swap3A_101, %swap3A_102], %broadcast_in_dim3A_47 {strides = array<i32>} : memref<2x128x256xf32, #tpu.memory_space<vmem>>, vector<16xf32>,
      %swap3A_104 = arith.constant 0 : i32
      %swap3A_105 = arith.index_cast %swap3A_104 : i32 to index
      %swap3A_106 = arith.index_cast %scan3A_84 : i32 to index
      %swap3A_107 = arith.constant 64 : index
      %swap3A_108 = tpu.vector_load %arg9[%swap3A_105, %swap3A_106, %swap3A_107] {strides = array<i32>} : memref<2x128x256xf32, #tpu.memory_space<vmem>>, vector<16xf32>,
      tpu.vector_store %arg9[%swap3A_105, %swap3A_106, %swap3A_107], %broadcast_in_dim3A_47 {strides = array<i32>} : memref<2x128x256xf32, #tpu.memory_space<vmem>>, vector<16xf32>,
      %swap3A_109 = arith.constant 0 : i32
      %swap3A_110 = arith.index_cast %swap3A_109 : i32 to index
      %swap3A_111 = arith.index_cast %scan3A_84 : i32 to index
      %swap3A_112 = arith.constant 80 : index
      %swap3A_113 = tpu.vector_load %arg9[%swap3A_110, %swap3A_111, %swap3A_112] {strides = array<i32>} : memref<2x128x256xf32, #tpu.memory_space<vmem>>, vector<16xf32>,
      tpu.vector_store %arg9[%swap3A_110, %swap3A_111, %swap3A_112], %broadcast_in_dim3A_47 {strides = array<i32>} : memref<2x128x256xf32, #tpu.memory_space<vmem>>, vector<16xf32>,
      %swap3A_114 = arith.constant 0 : i32
      %swap3A_115 = arith.index_cast %swap3A_114 : i32 to index
      %swap3A_116 = arith.index_cast %scan3A_84 : i32 to index
      %swap3A_117 = arith.constant 96 : index
      %swap3A_118 = tpu.vector_load %arg9[%swap3A_115, %swap3A_116, %swap3A_117] {strides = array<i32>} : memref<2x128x256xf32, #tpu.memory_space<vmem>>, vector<16xf32>,
      tpu.vector_store %arg9[%swap3A_115, %swap3A_116, %swap3A_117], %broadcast_in_dim3A_47 {strides = array<i32>} : memref<2x128x256xf32, #tpu.memory_space<vmem>>, vector<16xf32>,
      %swap3A_119 = arith.constant 0 : i32
      %swap3A_120 = arith.index_cast %swap3A_119 : i32 to index
      %swap3A_121 = arith.index_cast %scan3A_84 : i32 to index
      %swap3A_122 = arith.constant 112 : index
      %swap3A_123 = tpu.vector_load %arg9[%swap3A_120, %swap3A_121, %swap3A_122] {strides = array<i32>} : memref<2x128x256xf32, #tpu.memory_space<vmem>>, vector<16xf32>,
      tpu.vector_store %arg9[%swap3A_120, %swap3A_121, %swap3A_122], %broadcast_in_dim3A_47 {strides = array<i32>} : memref<2x128x256xf32, #tpu.memory_space<vmem>>, vector<16xf32>,
      %swap3A_124 = arith.constant 0 : i32
      %swap3A_125 = arith.index_cast %swap3A_124 : i32 to index
      %swap3A_126 = arith.index_cast %scan3A_84 : i32 to index
      %swap3A_127 = arith.constant 128 : index
      %swap3A_128 = tpu.vector_load %arg9[%swap3A_125, %swap3A_126, %swap3A_127] {strides = array<i32>} : memref<2x128x256xf32, #tpu.memory_space<vmem>>, vector<16xf32>,
      tpu.vector_store %arg9[%swap3A_125, %swap3A_126, %swap3A_127], %broadcast_in_dim3A_47 {strides = array<i32>} : memref<2x128x256xf32, #tpu.memory_space<vmem>>, vector<16xf32>,
      %swap3A_129 = arith.constant 0 : i32
      %swap3A_130 = arith.index_cast %swap3A_129 : i32 to index
      %swap3A_131 = arith.index_cast %scan3A_84 : i32 to index
      %swap3A_132 = arith.constant 144 : index
      %swap3A_133 = tpu.vector_load %arg9[%swap3A_130, %swap3A_131, %swap3A_132] {strides = array<i32>} : memref<2x128x256xf32, #tpu.memory_space<vmem>>, vector<16xf32>,
      tpu.vector_store %arg9[%swap3A_130, %swap3A_131, %swap3A_132], %broadcast_in_dim3A_47 {strides = array<i32>} : memref<2x128x256xf32, #tpu.memory_space<vmem>>, vector<16xf32>,
      %swap3A_134 = arith.constant 0 : i32
      %swap3A_135 = arith.index_cast %swap3A_134 : i32 to index
      %swap3A_136 = arith.index_cast %scan3A_84 : i32 to index
      %swap3A_137 = arith.constant 160 : index
      %swap3A_138 = tpu.vector_load %arg9[%swap3A_135, %swap3A_136, %swap3A_137] {strides = array<i32>} : memref<2x128x256xf32, #tpu.memory_space<vmem>>, vector<16xf32>,
      tpu.vector_store %arg9[%swap3A_135, %swap3A_136, %swap3A_137], %broadcast_in_dim3A_47 {strides = array<i32>} : memref<2x128x256xf32, #tpu.memory_space<vmem>>, vector<16xf32>,
      %swap3A_139 = arith.constant 0 : i32
      %swap3A_140 = arith.index_cast %swap3A_139 : i32 to index
      %swap3A_141 = arith.index_cast %scan3A_84 : i32 to index
      %swap3A_142 = arith.constant 176 : index
      %swap3A_143 = tpu.vector_load %arg9[%swap3A_140, %swap3A_141, %swap3A_142] {strides = array<i32>} : memref<2x128x256xf32, #tpu.memory_space<vmem>>, vector<16xf32>,
      tpu.vector_store %arg9[%swap3A_140, %swap3A_141, %swap3A_142], %broadcast_in_dim3A_47 {strides = array<i32>} : memref<2x128x256xf32, #tpu.memory_space<vmem>>, vector<16xf32>,
      %swap3A_144 = arith.constant 0 : i32
      %swap3A_145 = arith.index_cast %swap3A_144 : i32 to index
      %swap3A_146 = arith.index_cast %scan3A_84 : i32 to index
      %swap3A_147 = arith.constant 192 : index
      %swap3A_148 = tpu.vector_load %arg9[%swap3A_145, %swap3A_146, %swap3A_147] {strides = array<i32>} : memref<2x128x256xf32, #tpu.memory_space<vmem>>, vector<16xf32>,
      tpu.vector_store %arg9[%swap3A_145, %swap3A_146, %swap3A_147], %broadcast_in_dim3A_47 {strides = array<i32>} : memref<2x128x256xf32, #tpu.memory_space<vmem>>, vector<16xf32>,
      %swap3A_149 = arith.constant 0 : i32
      %swap3A_150 = arith.index_cast %swap3A_149 : i32 to index
      %swap3A_151 = arith.index_cast %scan3A_84 : i32 to index
      %swap3A_152 = arith.constant 208 : index
      %swap3A_153 = tpu.vector_load %arg9[%swap3A_150, %swap3A_151, %swap3A_152] {strides = array<i32>} : memref<2x128x256xf32, #tpu.memory_space<vmem>>, vector<16xf32>,
      tpu.vector_store %arg9[%swap3A_150, %swap3A_151, %swap3A_152], %broadcast_in_dim3A_47 {strides = array<i32>} : memref<2x128x256xf32, #tpu.memory_space<vmem>>, vector<16xf32>,
      %swap3A_154 = arith.constant 0 : i32
      %swap3A_155 = arith.index_cast %swap3A_154 : i32 to index
      %swap3A_156 = arith.index_cast %scan3A_84 : i32 to index
      %swap3A_157 = arith.constant 224 : index
      %swap3A_158 = tpu.vector_load %arg9[%swap3A_155, %swap3A_156, %swap3A_157] {strides = array<i32>} : memref<2x128x256xf32, #tpu.memory_space<vmem>>, vector<16xf32>,
      tpu.vector_store %arg9[%swap3A_155, %swap3A_156, %swap3A_157], %broadcast_in_dim3A_47 {strides = array<i32>} : memref<2x128x256xf32, #tpu.memory_space<vmem>>, vector<16xf32>,
      %swap3A_159 = arith.constant 0 : i32
      %swap3A_160 = arith.index_cast %swap3A_159 : i32 to index
      %swap3A_161 = arith.index_cast %scan3A_84 : i32 to index
      %swap3A_162 = arith.constant 240 : index
      %swap3A_163 = tpu.vector_load %arg9[%swap3A_160, %swap3A_161, %swap3A_162] {strides = array<i32>} : memref<2x128x256xf32, #tpu.memory_space<vmem>>, vector<16xf32>,
      tpu.vector_store %arg9[%swap3A_160, %swap3A_161, %swap3A_162], %broadcast_in_dim3A_47 {strides = array<i32>} : memref<2x128x256xf32, #tpu.memory_space<vmem>>, vector<16xf32>,
      %swap3A_164 = arith.constant 1 : i32
      %swap3A_165 = arith.index_cast %swap3A_164 : i32 to index
      %swap3A_166 = arith.index_cast %scan3A_84 : i32 to index
      %swap3A_167 = arith.constant 0 : index
      %swap3A_168 = tpu.vector_load %arg9[%swap3A_165, %swap3A_166, %swap3A_167] {strides = array<i32>} : memref<2x128x256xf32, #tpu.memory_space<vmem>>, vector<16xf32>,
      tpu.vector_store %arg9[%swap3A_165, %swap3A_166, %swap3A_167], %broadcast_in_dim3A_47 {strides = array<i32>} : memref<2x128x256xf32, #tpu.memory_space<vmem>>, vector<16xf32>,
      %swap3A_169 = arith.constant 1 : i32
      %swap3A_170 = arith.index_cast %swap3A_169 : i32 to index
      %swap3A_171 = arith.index_cast %scan3A_84 : i32 to index
      %swap3A_172 = arith.constant 16 : index
      %swap3A_173 = tpu.vector_load %arg9[%swap3A_170, %swap3A_171, %swap3A_172] {strides = array<i32>} : memref<2x128x256xf32, #tpu.memory_space<vmem>>, vector<16xf32>,
      tpu.vector_store %arg9[%swap3A_170, %swap3A_171, %swap3A_172], %broadcast_in_dim3A_47 {strides = array<i32>} : memref<2x128x256xf32, #tpu.memory_space<vmem>>, vector<16xf32>,
      %swap3A_174 = arith.constant 1 : i32
      %swap3A_175 = arith.index_cast %swap3A_174 : i32 to index
      %swap3A_176 = arith.index_cast %scan3A_84 : i32 to index
      %swap3A_177 = arith.constant 32 : index
      %swap3A_178 = tpu.vector_load %arg9[%swap3A_175, %swap3A_176, %swap3A_177] {strides = array<i32>} : memref<2x128x256xf32, #tpu.memory_space<vmem>>, vector<16xf32>,
      tpu.vector_store %arg9[%swap3A_175, %swap3A_176, %swap3A_177], %broadcast_in_dim3A_47 {strides = array<i32>} : memref<2x128x256xf32, #tpu.memory_space<vmem>>, vector<16xf32>,
      %swap3A_179 = arith.constant 1 : i32
      %swap3A_180 = arith.index_cast %swap3A_179 : i32 to index
      %swap3A_181 = arith.index_cast %scan3A_84 : i32 to index
      %swap3A_182 = arith.constant 48 : index
      %swap3A_183 = tpu.vector_load %arg9[%swap3A_180, %swap3A_181, %swap3A_182] {strides = array<i32>} : memref<2x128x256xf32, #tpu.memory_space<vmem>>, vector<16xf32>,
      tpu.vector_store %arg9[%swap3A_180, %swap3A_181, %swap3A_182], %broadcast_in_dim3A_47 {strides = array<i32>} : memref<2x128x256xf32, #tpu.memory_space<vmem>>, vector<16xf32>,
      %swap3A_184 = arith.constant 1 : i32
      %swap3A_185 = arith.index_cast %swap3A_184 : i32 to index
      %swap3A_186 = arith.index_cast %scan3A_84 : i32 to index
      %swap3A_187 = arith.constant 64 : index
      %swap3A_188 = tpu.vector_load %arg9[%swap3A_185, %swap3A_186, %swap3A_187] {strides = array<i32>} : memref<2x128x256xf32, #tpu.memory_space<vmem>>, vector<16xf32>,
      tpu.vector_store %arg9[%swap3A_185, %swap3A_186, %swap3A_187], %broadcast_in_dim3A_47 {strides = array<i32>} : memref<2x128x256xf32, #tpu.memory_space<vmem>>, vector<16xf32>,
      %swap3A_189 = arith.constant 1 : i32
      %swap3A_190 = arith.index_cast %swap3A_189 : i32 to index
      %swap3A_191 = arith.index_cast %scan3A_84 : i32 to index
      %swap3A_192 = arith.constant 80 : index
      %swap3A_193 = tpu.vector_load %arg9[%swap3A_190, %swap3A_191, %swap3A_192] {strides = array<i32>} : memref<2x128x256xf32, #tpu.memory_space<vmem>>, vector<16xf32>,
      tpu.vector_store %arg9[%swap3A_190, %swap3A_191, %swap3A_192], %broadcast_in_dim3A_47 {strides = array<i32>} : memref<2x128x256xf32, #tpu.memory_space<vmem>>, vector<16xf32>,
      %swap3A_194 = arith.constant 1 : i32
      %swap3A_195 = arith.index_cast %swap3A_194 : i32 to index
      %swap3A_196 = arith.index_cast %scan3A_84 : i32 to index
      %swap3A_197 = arith.constant 96 : index
      %swap3A_198 = tpu.vector_load %arg9[%swap3A_195, %swap3A_196, %swap3A_197] {strides = array<i32>} : memref<2x128x256xf32, #tpu.memory_space<vmem>>, vector<16xf32>,
      tpu.vector_store %arg9[%swap3A_195, %swap3A_196, %swap3A_197], %broadcast_in_dim3A_47 {strides = array<i32>} : memref<2x128x256xf32, #tpu.memory_space<vmem>>, vector<16xf32>,
      %swap3A_199 = arith.constant 1 : i32
      %swap3A_200 = arith.index_cast %swap3A_199 : i32 to index
      %swap3A_201 = arith.index_cast %scan3A_84 : i32 to index
      %swap3A_202 = arith.constant 112 : index
      %swap3A_203 = tpu.vector_load %arg9[%swap3A_200, %swap3A_201, %swap3A_202] {strides = array<i32>} : memref<2x128x256xf32, #tpu.memory_space<vmem>>, vector<16xf32>,
      tpu.vector_store %arg9[%swap3A_200, %swap3A_201, %swap3A_202], %broadcast_in_dim3A_47 {strides = array<i32>} : memref<2x128x256xf32, #tpu.memory_space<vmem>>, vector<16xf32>,
      %swap3A_204 = arith.constant 1 : i32
      %swap3A_205 = arith.index_cast %swap3A_204 : i32 to index
      %swap3A_206 = arith.index_cast %scan3A_84 : i32 to index
      %swap3A_207 = arith.constant 128 : index
      %swap3A_208 = tpu.vector_load %arg9[%swap3A_205, %swap3A_206, %swap3A_207] {strides = array<i32>} : memref<2x128x256xf32, #tpu.memory_space<vmem>>, vector<16xf32>,
      tpu.vector_store %arg9[%swap3A_205, %swap3A_206, %swap3A_207], %broadcast_in_dim3A_47 {strides = array<i32>} : memref<2x128x256xf32, #tpu.memory_space<vmem>>, vector<16xf32>,
      %swap3A_209 = arith.constant 1 : i32
      %swap3A_210 = arith.index_cast %swap3A_209 : i32 to index
      %swap3A_211 = arith.index_cast %scan3A_84 : i32 to index
      %swap3A_212 = arith.constant 144 : index
      %swap3A_213 = tpu.vector_load %arg9[%swap3A_210, %swap3A_211, %swap3A_212] {strides = array<i32>} : memref<2x128x256xf32, #tpu.memory_space<vmem>>, vector<16xf32>,
      tpu.vector_store %arg9[%swap3A_210, %swap3A_211, %swap3A_212], %broadcast_in_dim3A_47 {strides = array<i32>} : memref<2x128x256xf32, #tpu.memory_space<vmem>>, vector<16xf32>,
      %swap3A_214 = arith.constant 1 : i32
      %swap3A_215 = arith.index_cast %swap3A_214 : i32 to index
      %swap3A_216 = arith.index_cast %scan3A_84 : i32 to index
      %swap3A_217 = arith.constant 160 : index
      %swap3A_218 = tpu.vector_load %arg9[%swap3A_215, %swap3A_216, %swap3A_217] {strides = array<i32>} : memref<2x128x256xf32, #tpu.memory_space<vmem>>, vector<16xf32>,
      tpu.vector_store %arg9[%swap3A_215, %swap3A_216, %swap3A_217], %broadcast_in_dim3A_47 {strides = array<i32>} : memref<2x128x256xf32, #tpu.memory_space<vmem>>, vector<16xf32>,
      %swap3A_219 = arith.constant 1 : i32
      %swap3A_220 = arith.index_cast %swap3A_219 : i32 to index
      %swap3A_221 = arith.index_cast %scan3A_84 : i32 to index
      %swap3A_222 = arith.constant 176 : index
      %swap3A_223 = tpu.vector_load %arg9[%swap3A_220, %swap3A_221, %swap3A_222] {strides = array<i32>} : memref<2x128x256xf32, #tpu.memory_space<vmem>>, vector<16xf32>,
      tpu.vector_store %arg9[%swap3A_220, %swap3A_221, %swap3A_222], %broadcast_in_dim3A_47 {strides = array<i32>} : memref<2x128x256xf32, #tpu.memory_space<vmem>>, vector<16xf32>,
      %swap3A_224 = arith.constant 1 : i32
      %swap3A_225 = arith.index_cast %swap3A_224 : i32 to index
      %swap3A_226 = arith.index_cast %scan3A_84 : i32 to index
      %swap3A_227 = arith.constant 192 : index
      %swap3A_228 = tpu.vector_load %arg9[%swap3A_225, %swap3A_226, %swap3A_227] {strides = array<i32>} : memref<2x128x256xf32, #tpu.memory_space<vmem>>, vector<16xf32>,
      tpu.vector_store %arg9[%swap3A_225, %swap3A_226, %swap3A_227], %broadcast_in_dim3A_47 {strides = array<i32>} : memref<2x128x256xf32, #tpu.memory_space<vmem>>, vector<16xf32>,
      %swap3A_229 = arith.constant 1 : i32
      %swap3A_230 = arith.index_cast %swap3A_229 : i32 to index
      %swap3A_231 = arith.index_cast %scan3A_84 : i32 to index
      %swap3A_232 = arith.constant 208 : index
      %swap3A_233 = tpu.vector_load %arg9[%swap3A_230, %swap3A_231, %swap3A_232] {strides = array<i32>} : memref<2x128x256xf32, #tpu.memory_space<vmem>>, vector<16xf32>,
      tpu.vector_store %arg9[%swap3A_230, %swap3A_231, %swap3A_232], %broadcast_in_dim3A_47 {strides = array<i32>} : memref<2x128x256xf32, #tpu.memory_space<vmem>>, vector<16xf32>,
      %swap3A_234 = arith.constant 1 : i32
      %swap3A_235 = arith.index_cast %swap3A_234 : i32 to index
      %swap3A_236 = arith.index_cast %scan3A_84 : i32 to index
      %swap3A_237 = arith.constant 224 : index
      %swap3A_238 = tpu.vector_load %arg9[%swap3A_235, %swap3A_236, %swap3A_237] {strides = array<i32>} : memref<2x128x256xf32, #tpu.memory_space<vmem>>, vector<16xf32>,
      tpu.vector_store %arg9[%swap3A_235, %swap3A_236, %swap3A_237], %broadcast_in_dim3A_47 {strides = array<i32>} : memref<2x128x256xf32, #tpu.memory_space<vmem>>, vector<16xf32>,
      %swap3A_239 = arith.constant 1 : i32
      %swap3A_240 = arith.index_cast %swap3A_239 : i32 to index
      %swap3A_241 = arith.index_cast %scan3A_84 : i32 to index
      %swap3A_242 = arith.constant 240 : index
      %swap3A_243 = tpu.vector_load %arg9[%swap3A_240, %swap3A_241, %swap3A_242] {strides = array<i32>} : memref<2x128x256xf32, #tpu.memory_space<vmem>>, vector<16xf32>,
      tpu.vector_store %arg9[%swap3A_240, %swap3A_241, %swap3A_242], %broadcast_in_dim3A_47 {strides = array<i32>} : memref<2x128x256xf32, #tpu.memory_space<vmem>>, vector<16xf32>,
    }
    %scan3A_52 = arith.constant 128 : i32
    %scan3A_53 = arith.constant 0 : i32
    %scan3A_54 = arith.constant 0 : i32
    %scan3A_55 = arith.constant 8 : i32
    %scan3A_56 = arith.addi %scan3A_54, %scan3A_55 : i32
    %scan3A_57 = arith.constant 1 : i32
    scf.for %scan3A_84 = %scan3A_54 to %scan3A_56 step %scan3A_57  : i32 {
      %mul3A_85 = arith.constant 2 : i32
      %mul3A_86 = arith.muli %mul3A_85, %scan3A_84 : i32
      %add3A_87 = arith.constant 0 : i32
      %add3A_88 = arith.addi %mul3A_86, %add3A_87 : i32
      %mul3A_89 = arith.constant 128 : i32
      %mul3A_90 = arith.muli %add3A_88, %mul3A_89 : i32
      %add3A_91 = arith.addi %mul3A_2, %mul3A_90 : i32
      %dma_wait3A_92 = arith.constant 0 : i32
      %dma_wait3A_93 = arith.constant 0 : i32
      %dma_wait3A_94 = arith.constant 0 : i32
      %dma_wait3A_95 = tpu.memref_slice %arg8[%dma_wait3A_92, %dma_wait3A_93, %dma_wait3A_94] : memref<2x128x64xf32, #tpu.memory_space<vmem>> -> memref<1x128x64xf32, #tpu.memory_space<vmem>>
      %dma_wait3A_96 = tpu.memref_squeeze %dma_wait3A_95 : memref<1x128x64xf32, #tpu.memory_space<vmem>> -> memref<128x64xf32, #tpu.memory_space<vmem>>
      %dma_wait3A_97 = arith.constant 0 : i32
      %dma_wait3A_98 = tpu.memref_slice %arg2[%add3A_91, %dma_wait3A_97] : memref<65536x64xf32, #tpu.memory_space<hbm>> -> memref<128x64xf32, #tpu.memory_space<hbm>>
      %dma_wait3A_99 = arith.constant 0 : i32
      %dma_wait3A_100 = arith.constant 0 : i32
      %dma_wait3A_101 = tpu.memref_slice %arg8[%dma_wait3A_92, %dma_wait3A_99, %dma_wait3A_100] : memref<2x128x64xf32, #tpu.memory_space<vmem>> -> memref<1x128x64xf32, #tpu.memory_space<vmem>>
      %dma_wait3A_102 = tpu.memref_squeeze %dma_wait3A_101 : memref<1x128x64xf32, #tpu.memory_space<vmem>> -> memref<128x64xf32, #tpu.memory_space<vmem>>
      %dma_wait3A_103 = arith.constant 0 : i32
      %dma_wait3A_104 = tpu.memref_slice %arg2[%add3A_91, %dma_wait3A_103] : memref<65536x64xf32, #tpu.memory_space<hbm>> -> memref<128x64xf32, #tpu.memory_space<hbm>>
      tpu.wait_dma2 semaphore(%arg10 : memref<!tpu.dma_semaphore, #tpu.memory_space<semaphore_mem>>) src(%dma_wait3A_104 : memref<128x64xf32, #tpu.memory_space<hbm>>) dst(%dma_wait3A_102 : memref<128x64xf32, #tpu.memory_space<vmem>>)
      %ge3A = arith.constant 2 : i32
      %ge3A_105 = arith.cmpi sge, %add3A_88, %ge3A : i32
      %convert_element_type3A = arith.extui %ge3A_105 : i1 to i32
      %cond3A = arith.constant 0 : i32
      %cond3A_106 = arith.cmpi ne, %convert_element_type3A, %cond3A : i32
      scf.if %cond3A_106 {
        %dma_wait3A_183 = arith.constant 0 : i32
        %dma_wait3A_184 = arith.constant 0 : i32
        %dma_wait3A_185 = arith.constant 0 : i32
        %dma_wait3A_186 = tpu.memref_slice %arg9[%dma_wait3A_183, %dma_wait3A_184, %dma_wait3A_185] : memref<2x128x256xf32, #tpu.memory_space<vmem>> -> memref<1x128x256xf32, #tpu.memory_space<vmem>>
        %dma_wait3A_187 = tpu.memref_squeeze %dma_wait3A_186 : memref<1x128x256xf32, #tpu.memory_space<vmem>> -> memref<128x256xf32, #tpu.memory_space<vmem>>
        %dma_wait3A_188 = arith.constant 0 : i32
        %dma_wait3A_189 = tpu.memref_slice %arg5[%add3A_91, %dma_wait3A_188] : memref<65536x256xf32, #tpu.memory_space<hbm>> -> memref<128x256xf32, #tpu.memory_space<hbm>>
        %dma_wait3A_190 = arith.constant 0 : i32
        %dma_wait3A_191 = tpu.memref_slice %arg5[%add3A_91, %dma_wait3A_190] : memref<65536x256xf32, #tpu.memory_space<hbm>> -> memref<128x256xf32, #tpu.memory_space<hbm>>
        %dma_wait3A_192 = arith.constant 0 : i32
        %dma_wait3A_193 = arith.constant 0 : i32
        %dma_wait3A_194 = tpu.memref_slice %arg9[%dma_wait3A_183, %dma_wait3A_192, %dma_wait3A_193] : memref<2x128x256xf32, #tpu.memory_space<vmem>> -> memref<1x128x256xf32, #tpu.memory_space<vmem>>
        %dma_wait3A_195 = tpu.memref_squeeze %dma_wait3A_194 : memref<1x128x256xf32, #tpu.memory_space<vmem>> -> memref<128x256xf32, #tpu.memory_space<vmem>>
        tpu.wait_dma2 semaphore(%arg12 : memref<!tpu.dma_semaphore, #tpu.memory_space<semaphore_mem>>) src(%dma_wait3A_195 : memref<128x256xf32, #tpu.memory_space<vmem>>) dst(%dma_wait3A_191 : memref<128x256xf32, #tpu.memory_space<hbm>>)
      } else {
      }
      %scan3A_107 = arith.constant 0 : i32
      %scan3A_108 = arith.constant 0 : i32
      %scan3A_109 = arith.constant 32 : i32
      %scan3A_110 = arith.addi %scan3A_108, %scan3A_109 : i32
      %scan3A_111 = arith.constant 1 : i32
      scf.for %scan3A_183 = %scan3A_108 to %scan3A_110 step %scan3A_111  : i32 {
        %mul3A_184 = arith.constant 4 : i32
        %mul3A_185 = arith.muli %scan3A_183, %mul3A_184 : i32
        %add3A_186 = arith.constant 0 : i32
        %add3A_187 = arith.addi %mul3A_185, %add3A_186 : i32
        %broadcast_in_dim3A_188 = vector.broadcast %add3A_187 : i32 to vector<16xi32>
        %add3A_189 = arith.constant 0 : i32
        %add3A_190 = arith.addi %mul3A_185, %add3A_189 : i32
        %get3A_191 = arith.constant 0 : i32
        %get3A_192 = arith.index_cast %get3A_191 : i32 to index
        %get3A_193 = arith.index_cast %add3A_190 : i32 to index
        %get3A_194 = arith.constant 0 : index
        %get3A_195 = tpu.vector_load %arg8[%get3A_192, %get3A_193, %get3A_194] {strides = array<i32>} : memref<2x128x64xf32, #tpu.memory_space<vmem>>, vector<16xf32>,
        %mul3A_196 = arith.mulf %get3A_195, %get3A_40 : vector<16xf32>
        %scatter3A = arith.constant 0 : i32
        %scatter3A_197 = arith.constant 0 : i32
        %scatter3A_198 = arith.constant 0 : i32
        %scatter3A_199 = tpu.memref_slice %arg9[%scatter3A, %scatter3A_197, %scatter3A_198] : memref<2x128x256xf32, #tpu.memory_space<vmem>> -> memref<1x128x256xf32, #tpu.memory_space<vmem>>
        %scatter3A_200 = tpu.memref_squeeze %scatter3A_199 : memref<1x128x256xf32, #tpu.memory_space<vmem>> -> memref<128x256xf32, #tpu.memory_space<vmem>>
        tpu.vector_store_idx %scatter3A_200[%broadcast_in_dim3A_188, %get3A_32], %mul3A_196 : memref<128x256xf32, #tpu.memory_space<vmem>>[vector<16xi32>, vector<16xi32>], vector<16xf32>,
        %add3A_201 = arith.constant 0 : i32
        %add3A_202 = arith.addi %mul3A_185, %add3A_201 : i32
        %get3A_203 = arith.constant 0 : i32
        %get3A_204 = arith.index_cast %get3A_203 : i32 to index
        %get3A_205 = arith.index_cast %add3A_202 : i32 to index
        %get3A_206 = arith.constant 16 : index
        %get3A_207 = tpu.vector_load %arg8[%get3A_204, %get3A_205, %get3A_206] {strides = array<i32>} : memref<2x128x64xf32, #tpu.memory_space<vmem>>, vector<16xf32>,
        %mul3A_208 = arith.mulf %get3A_207, %get3A_42 : vector<16xf32>
        %scatter3A_209 = arith.constant 0 : i32
        %scatter3A_210 = arith.constant 0 : i32
        %scatter3A_211 = arith.constant 0 : i32
        %scatter3A_212 = tpu.memref_slice %arg9[%scatter3A_209, %scatter3A_210, %scatter3A_211] : memref<2x128x256xf32, #tpu.memory_space<vmem>> -> memref<1x128x256xf32, #tpu.memory_space<vmem>>
        %scatter3A_213 = tpu.memref_squeeze %scatter3A_212 : memref<1x128x256xf32, #tpu.memory_space<vmem>> -> memref<128x256xf32, #tpu.memory_space<vmem>>
        tpu.vector_store_idx %scatter3A_213[%broadcast_in_dim3A_188, %get3A_34], %mul3A_208 : memref<128x256xf32, #tpu.memory_space<vmem>>[vector<16xi32>, vector<16xi32>], vector<16xf32>,
        %add3A_214 = arith.constant 0 : i32
        %add3A_215 = arith.addi %mul3A_185, %add3A_214 : i32
        %get3A_216 = arith.constant 0 : i32
        %get3A_217 = arith.index_cast %get3A_216 : i32 to index
        %get3A_218 = arith.index_cast %add3A_215 : i32 to index
        %get3A_219 = arith.constant 32 : index
        %get3A_220 = tpu.vector_load %arg8[%get3A_217, %get3A_218, %get3A_219] {strides = array<i32>} : memref<2x128x64xf32, #tpu.memory_space<vmem>>, vector<16xf32>,
        %mul3A_221 = arith.mulf %get3A_220, %get3A_44 : vector<16xf32>
        %scatter3A_222 = arith.constant 0 : i32
        %scatter3A_223 = arith.constant 0 : i32
        %scatter3A_224 = arith.constant 0 : i32
        %scatter3A_225 = tpu.memref_slice %arg9[%scatter3A_222, %scatter3A_223, %scatter3A_224] : memref<2x128x256xf32, #tpu.memory_space<vmem>> -> memref<1x128x256xf32, #tpu.memory_space<vmem>>
        %scatter3A_226 = tpu.memref_squeeze %scatter3A_225 : memref<1x128x256xf32, #tpu.memory_space<vmem>> -> memref<128x256xf32, #tpu.memory_space<vmem>>
        tpu.vector_store_idx %scatter3A_226[%broadcast_in_dim3A_188, %get3A_36], %mul3A_221 : memref<128x256xf32, #tpu.memory_space<vmem>>[vector<16xi32>, vector<16xi32>], vector<16xf32>,
        %add3A_227 = arith.constant 0 : i32
        %add3A_228 = arith.addi %mul3A_185, %add3A_227 : i32
        %get3A_229 = arith.constant 0 : i32
        %get3A_230 = arith.index_cast %get3A_229 : i32 to index
        %get3A_231 = arith.index_cast %add3A_228 : i32 to index
        %get3A_232 = arith.constant 48 : index
        %get3A_233 = tpu.vector_load %arg8[%get3A_230, %get3A_231, %get3A_232] {strides = array<i32>} : memref<2x128x64xf32, #tpu.memory_space<vmem>>, vector<16xf32>,
        %mul3A_234 = arith.mulf %get3A_233, %get3A_46 : vector<16xf32>
        %scatter3A_235 = arith.constant 0 : i32
        %scatter3A_236 = arith.constant 0 : i32
        %scatter3A_237 = arith.constant 0 : i32
        %scatter3A_238 = tpu.memref_slice %arg9[%scatter3A_235, %scatter3A_236, %scatter3A_237] : memref<2x128x256xf32, #tpu.memory_space<vmem>> -> memref<1x128x256xf32, #tpu.memory_space<vmem>>
        %scatter3A_239 = tpu.memref_squeeze %scatter3A_238 : memref<1x128x256xf32, #tpu.memory_space<vmem>> -> memref<128x256xf32, #tpu.memory_space<vmem>>
        tpu.vector_store_idx %scatter3A_239[%broadcast_in_dim3A_188, %get3A_38], %mul3A_234 : memref<128x256xf32, #tpu.memory_space<vmem>>[vector<16xi32>, vector<16xi32>], vector<16xf32>,
        %add3A_240 = arith.constant 1 : i32
        %add3A_241 = arith.addi %mul3A_185, %add3A_240 : i32
        %broadcast_in_dim3A_242 = vector.broadcast %add3A_241 : i32 to vector<16xi32>
        %add3A_243 = arith.constant 1 : i32
        %add3A_244 = arith.addi %mul3A_185, %add3A_243 : i32
        %get3A_245 = arith.constant 0 : i32
        %get3A_246 = arith.index_cast %get3A_245 : i32 to index
        %get3A_247 = arith.index_cast %add3A_244 : i32 to index
        %get3A_248 = arith.constant 0 : index
        %get3A_249 = tpu.vector_load %arg8[%get3A_246, %get3A_247, %get3A_248] {strides = array<i32>} : memref<2x128x64xf32, #tpu.memory_space<vmem>>, vector<16xf32>,
        %mul3A_250 = arith.mulf %get3A_249, %get3A_40 : vector<16xf32>
        %scatter3A_251 = arith.constant 0 : i32
        %scatter3A_252 = arith.constant 0 : i32
        %scatter3A_253 = arith.constant 0 : i32
        %scatter3A_254 = tpu.memref_slice %arg9[%scatter3A_251, %scatter3A_252, %scatter3A_253] : memref<2x128x256xf32, #tpu.memory_space<vmem>> -> memref<1x128x256xf32, #tpu.memory_space<vmem>>
        %scatter3A_255 = tpu.memref_squeeze %scatter3A_254 : memref<1x128x256xf32, #tpu.memory_space<vmem>> -> memref<128x256xf32, #tpu.memory_space<vmem>>
        tpu.vector_store_idx %scatter3A_255[%broadcast_in_dim3A_242, %get3A_32], %mul3A_250 : memref<128x256xf32, #tpu.memory_space<vmem>>[vector<16xi32>, vector<16xi32>], vector<16xf32>,
        %add3A_256 = arith.constant 1 : i32
        %add3A_257 = arith.addi %mul3A_185, %add3A_256 : i32
        %get3A_258 = arith.constant 0 : i32
        %get3A_259 = arith.index_cast %get3A_258 : i32 to index
        %get3A_260 = arith.index_cast %add3A_257 : i32 to index
        %get3A_261 = arith.constant 16 : index
        %get3A_262 = tpu.vector_load %arg8[%get3A_259, %get3A_260, %get3A_261] {strides = array<i32>} : memref<2x128x64xf32, #tpu.memory_space<vmem>>, vector<16xf32>,
        %mul3A_263 = arith.mulf %get3A_262, %get3A_42 : vector<16xf32>
        %scatter3A_264 = arith.constant 0 : i32
        %scatter3A_265 = arith.constant 0 : i32
        %scatter3A_266 = arith.constant 0 : i32
        %scatter3A_267 = tpu.memref_slice %arg9[%scatter3A_264, %scatter3A_265, %scatter3A_266] : memref<2x128x256xf32, #tpu.memory_space<vmem>> -> memref<1x128x256xf32, #tpu.memory_space<vmem>>
        %scatter3A_268 = tpu.memref_squeeze %scatter3A_267 : memref<1x128x256xf32, #tpu.memory_space<vmem>> -> memref<128x256xf32, #tpu.memory_space<vmem>>
        tpu.vector_store_idx %scatter3A_268[%broadcast_in_dim3A_242, %get3A_34], %mul3A_263 : memref<128x256xf32, #tpu.memory_space<vmem>>[vector<16xi32>, vector<16xi32>], vector<16xf32>,
        %add3A_269 = arith.constant 1 : i32
        %add3A_270 = arith.addi %mul3A_185, %add3A_269 : i32
        %get3A_271 = arith.constant 0 : i32
        %get3A_272 = arith.index_cast %get3A_271 : i32 to index
        %get3A_273 = arith.index_cast %add3A_270 : i32 to index
        %get3A_274 = arith.constant 32 : index
        %get3A_275 = tpu.vector_load %arg8[%get3A_272, %get3A_273, %get3A_274] {strides = array<i32>} : memref<2x128x64xf32, #tpu.memory_space<vmem>>, vector<16xf32>,
        %mul3A_276 = arith.mulf %get3A_275, %get3A_44 : vector<16xf32>
        %scatter3A_277 = arith.constant 0 : i32
        %scatter3A_278 = arith.constant 0 : i32
        %scatter3A_279 = arith.constant 0 : i32
        %scatter3A_280 = tpu.memref_slice %arg9[%scatter3A_277, %scatter3A_278, %scatter3A_279] : memref<2x128x256xf32, #tpu.memory_space<vmem>> -> memref<1x128x256xf32, #tpu.memory_space<vmem>>
        %scatter3A_281 = tpu.memref_squeeze %scatter3A_280 : memref<1x128x256xf32, #tpu.memory_space<vmem>> -> memref<128x256xf32, #tpu.memory_space<vmem>>
        tpu.vector_store_idx %scatter3A_281[%broadcast_in_dim3A_242, %get3A_36], %mul3A_276 : memref<128x256xf32, #tpu.memory_space<vmem>>[vector<16xi32>, vector<16xi32>], vector<16xf32>,
        %add3A_282 = arith.constant 1 : i32
        %add3A_283 = arith.addi %mul3A_185, %add3A_282 : i32
        %get3A_284 = arith.constant 0 : i32
        %get3A_285 = arith.index_cast %get3A_284 : i32 to index
        %get3A_286 = arith.index_cast %add3A_283 : i32 to index
        %get3A_287 = arith.constant 48 : index
        %get3A_288 = tpu.vector_load %arg8[%get3A_285, %get3A_286, %get3A_287] {strides = array<i32>} : memref<2x128x64xf32, #tpu.memory_space<vmem>>, vector<16xf32>,
        %mul3A_289 = arith.mulf %get3A_288, %get3A_46 : vector<16xf32>
        %scatter3A_290 = arith.constant 0 : i32
        %scatter3A_291 = arith.constant 0 : i32
        %scatter3A_292 = arith.constant 0 : i32
        %scatter3A_293 = tpu.memref_slice %arg9[%scatter3A_290, %scatter3A_291, %scatter3A_292] : memref<2x128x256xf32, #tpu.memory_space<vmem>> -> memref<1x128x256xf32, #tpu.memory_space<vmem>>
        %scatter3A_294 = tpu.memref_squeeze %scatter3A_293 : memref<1x128x256xf32, #tpu.memory_space<vmem>> -> memref<128x256xf32, #tpu.memory_space<vmem>>
        tpu.vector_store_idx %scatter3A_294[%broadcast_in_dim3A_242, %get3A_38], %mul3A_289 : memref<128x256xf32, #tpu.memory_space<vmem>>[vector<16xi32>, vector<16xi32>], vector<16xf32>,
        %add3A_295 = arith.constant 2 : i32
        %add3A_296 = arith.addi %mul3A_185, %add3A_295 : i32
        %broadcast_in_dim3A_297 = vector.broadcast %add3A_296 : i32 to vector<16xi32>
        %add3A_298 = arith.constant 2 : i32
        %add3A_299 = arith.addi %mul3A_185, %add3A_298 : i32
        %get3A_300 = arith.constant 0 : i32
        %get3A_301 = arith.index_cast %get3A_300 : i32 to index
        %get3A_302 = arith.index_cast %add3A_299 : i32 to index
        %get3A_303 = arith.constant 0 : index
        %get3A_304 = tpu.vector_load %arg8[%get3A_301, %get3A_302, %get3A_303] {strides = array<i32>} : memref<2x128x64xf32, #tpu.memory_space<vmem>>, vector<16xf32>,
        %mul3A_305 = arith.mulf %get3A_304, %get3A_40 : vector<16xf32>
        %scatter3A_306 = arith.constant 0 : i32
        %scatter3A_307 = arith.constant 0 : i32
        %scatter3A_308 = arith.constant 0 : i32
        %scatter3A_309 = tpu.memref_slice %arg9[%scatter3A_306, %scatter3A_307, %scatter3A_308] : memref<2x128x256xf32, #tpu.memory_space<vmem>> -> memref<1x128x256xf32, #tpu.memory_space<vmem>>
        %scatter3A_310 = tpu.memref_squeeze %scatter3A_309 : memref<1x128x256xf32, #tpu.memory_space<vmem>> -> memref<128x256xf32, #tpu.memory_space<vmem>>
        tpu.vector_store_idx %scatter3A_310[%broadcast_in_dim3A_297, %get3A_32], %mul3A_305 : memref<128x256xf32, #tpu.memory_space<vmem>>[vector<16xi32>, vector<16xi32>], vector<16xf32>,
        %add3A_311 = arith.constant 2 : i32
        %add3A_312 = arith.addi %mul3A_185, %add3A_311 : i32
        %get3A_313 = arith.constant 0 : i32
        %get3A_314 = arith.index_cast %get3A_313 : i32 to index
        %get3A_315 = arith.index_cast %add3A_312 : i32 to index
        %get3A_316 = arith.constant 16 : index
        %get3A_317 = tpu.vector_load %arg8[%get3A_314, %get3A_315, %get3A_316] {strides = array<i32>} : memref<2x128x64xf32, #tpu.memory_space<vmem>>, vector<16xf32>,
        %mul3A_318 = arith.mulf %get3A_317, %get3A_42 : vector<16xf32>
        %scatter3A_319 = arith.constant 0 : i32
        %scatter3A_320 = arith.constant 0 : i32
        %scatter3A_321 = arith.constant 0 : i32
        %scatter3A_322 = tpu.memref_slice %arg9[%scatter3A_319, %scatter3A_320, %scatter3A_321] : memref<2x128x256xf32, #tpu.memory_space<vmem>> -> memref<1x128x256xf32, #tpu.memory_space<vmem>>
        %scatter3A_323 = tpu.memref_squeeze %scatter3A_322 : memref<1x128x256xf32, #tpu.memory_space<vmem>> -> memref<128x256xf32, #tpu.memory_space<vmem>>
        tpu.vector_store_idx %scatter3A_323[%broadcast_in_dim3A_297, %get3A_34], %mul3A_318 : memref<128x256xf32, #tpu.memory_space<vmem>>[vector<16xi32>, vector<16xi32>], vector<16xf32>,
        %add3A_324 = arith.constant 2 : i32
        %add3A_325 = arith.addi %mul3A_185, %add3A_324 : i32
        %get3A_326 = arith.constant 0 : i32
        %get3A_327 = arith.index_cast %get3A_326 : i32 to index
        %get3A_328 = arith.index_cast %add3A_325 : i32 to index
        %get3A_329 = arith.constant 32 : index
        %get3A_330 = tpu.vector_load %arg8[%get3A_327, %get3A_328, %get3A_329] {strides = array<i32>} : memref<2x128x64xf32, #tpu.memory_space<vmem>>, vector<16xf32>,
        %mul3A_331 = arith.mulf %get3A_330, %get3A_44 : vector<16xf32>
        %scatter3A_332 = arith.constant 0 : i32
        %scatter3A_333 = arith.constant 0 : i32
        %scatter3A_334 = arith.constant 0 : i32
        %scatter3A_335 = tpu.memref_slice %arg9[%scatter3A_332, %scatter3A_333, %scatter3A_334] : memref<2x128x256xf32, #tpu.memory_space<vmem>> -> memref<1x128x256xf32, #tpu.memory_space<vmem>>
        %scatter3A_336 = tpu.memref_squeeze %scatter3A_335 : memref<1x128x256xf32, #tpu.memory_space<vmem>> -> memref<128x256xf32, #tpu.memory_space<vmem>>
        tpu.vector_store_idx %scatter3A_336[%broadcast_in_dim3A_297, %get3A_36], %mul3A_331 : memref<128x256xf32, #tpu.memory_space<vmem>>[vector<16xi32>, vector<16xi32>], vector<16xf32>,
        %add3A_337 = arith.constant 2 : i32
        %add3A_338 = arith.addi %mul3A_185, %add3A_337 : i32
        %get3A_339 = arith.constant 0 : i32
        %get3A_340 = arith.index_cast %get3A_339 : i32 to index
        %get3A_341 = arith.index_cast %add3A_338 : i32 to index
        %get3A_342 = arith.constant 48 : index
        %get3A_343 = tpu.vector_load %arg8[%get3A_340, %get3A_341, %get3A_342] {strides = array<i32>} : memref<2x128x64xf32, #tpu.memory_space<vmem>>, vector<16xf32>,
        %mul3A_344 = arith.mulf %get3A_343, %get3A_46 : vector<16xf32>
        %scatter3A_345 = arith.constant 0 : i32
        %scatter3A_346 = arith.constant 0 : i32
        %scatter3A_347 = arith.constant 0 : i32
        %scatter3A_348 = tpu.memref_slice %arg9[%scatter3A_345, %scatter3A_346, %scatter3A_347] : memref<2x128x256xf32, #tpu.memory_space<vmem>> -> memref<1x128x256xf32, #tpu.memory_space<vmem>>
        %scatter3A_349 = tpu.memref_squeeze %scatter3A_348 : memref<1x128x256xf32, #tpu.memory_space<vmem>> -> memref<128x256xf32, #tpu.memory_space<vmem>>
        tpu.vector_store_idx %scatter3A_349[%broadcast_in_dim3A_297, %get3A_38], %mul3A_344 : memref<128x256xf32, #tpu.memory_space<vmem>>[vector<16xi32>, vector<16xi32>], vector<16xf32>,
        %add3A_350 = arith.constant 3 : i32
        %add3A_351 = arith.addi %mul3A_185, %add3A_350 : i32
        %broadcast_in_dim3A_352 = vector.broadcast %add3A_351 : i32 to vector<16xi32>
        %add3A_353 = arith.constant 3 : i32
        %add3A_354 = arith.addi %mul3A_185, %add3A_353 : i32
        %get3A_355 = arith.constant 0 : i32
        %get3A_356 = arith.index_cast %get3A_355 : i32 to index
        %get3A_357 = arith.index_cast %add3A_354 : i32 to index
        %get3A_358 = arith.constant 0 : index
        %get3A_359 = tpu.vector_load %arg8[%get3A_356, %get3A_357, %get3A_358] {strides = array<i32>} : memref<2x128x64xf32, #tpu.memory_space<vmem>>, vector<16xf32>,
        %mul3A_360 = arith.mulf %get3A_359, %get3A_40 : vector<16xf32>
        %scatter3A_361 = arith.constant 0 : i32
        %scatter3A_362 = arith.constant 0 : i32
        %scatter3A_363 = arith.constant 0 : i32
        %scatter3A_364 = tpu.memref_slice %arg9[%scatter3A_361, %scatter3A_362, %scatter3A_363] : memref<2x128x256xf32, #tpu.memory_space<vmem>> -> memref<1x128x256xf32, #tpu.memory_space<vmem>>
        %scatter3A_365 = tpu.memref_squeeze %scatter3A_364 : memref<1x128x256xf32, #tpu.memory_space<vmem>> -> memref<128x256xf32, #tpu.memory_space<vmem>>
        tpu.vector_store_idx %scatter3A_365[%broadcast_in_dim3A_352, %get3A_32], %mul3A_360 : memref<128x256xf32, #tpu.memory_space<vmem>>[vector<16xi32>, vector<16xi32>], vector<16xf32>,
        %add3A_366 = arith.constant 3 : i32
        %add3A_367 = arith.addi %mul3A_185, %add3A_366 : i32
        %get3A_368 = arith.constant 0 : i32
        %get3A_369 = arith.index_cast %get3A_368 : i32 to index
        %get3A_370 = arith.index_cast %add3A_367 : i32 to index
        %get3A_371 = arith.constant 16 : index
        %get3A_372 = tpu.vector_load %arg8[%get3A_369, %get3A_370, %get3A_371] {strides = array<i32>} : memref<2x128x64xf32, #tpu.memory_space<vmem>>, vector<16xf32>,
        %mul3A_373 = arith.mulf %get3A_372, %get3A_42 : vector<16xf32>
        %scatter3A_374 = arith.constant 0 : i32
        %scatter3A_375 = arith.constant 0 : i32
        %scatter3A_376 = arith.constant 0 : i32
        %scatter3A_377 = tpu.memref_slice %arg9[%scatter3A_374, %scatter3A_375, %scatter3A_376] : memref<2x128x256xf32, #tpu.memory_space<vmem>> -> memref<1x128x256xf32, #tpu.memory_space<vmem>>
        %scatter3A_378 = tpu.memref_squeeze %scatter3A_377 : memref<1x128x256xf32, #tpu.memory_space<vmem>> -> memref<128x256xf32, #tpu.memory_space<vmem>>
        tpu.vector_store_idx %scatter3A_378[%broadcast_in_dim3A_352, %get3A_34], %mul3A_373 : memref<128x256xf32, #tpu.memory_space<vmem>>[vector<16xi32>, vector<16xi32>], vector<16xf32>,
        %add3A_379 = arith.constant 3 : i32
        %add3A_380 = arith.addi %mul3A_185, %add3A_379 : i32
        %get3A_381 = arith.constant 0 : i32
        %get3A_382 = arith.index_cast %get3A_381 : i32 to index
        %get3A_383 = arith.index_cast %add3A_380 : i32 to index
        %get3A_384 = arith.constant 32 : index
        %get3A_385 = tpu.vector_load %arg8[%get3A_382, %get3A_383, %get3A_384] {strides = array<i32>} : memref<2x128x64xf32, #tpu.memory_space<vmem>>, vector<16xf32>,
        %mul3A_386 = arith.mulf %get3A_385, %get3A_44 : vector<16xf32>
        %scatter3A_387 = arith.constant 0 : i32
        %scatter3A_388 = arith.constant 0 : i32
        %scatter3A_389 = arith.constant 0 : i32
        %scatter3A_390 = tpu.memref_slice %arg9[%scatter3A_387, %scatter3A_388, %scatter3A_389] : memref<2x128x256xf32, #tpu.memory_space<vmem>> -> memref<1x128x256xf32, #tpu.memory_space<vmem>>
        %scatter3A_391 = tpu.memref_squeeze %scatter3A_390 : memref<1x128x256xf32, #tpu.memory_space<vmem>> -> memref<128x256xf32, #tpu.memory_space<vmem>>
        tpu.vector_store_idx %scatter3A_391[%broadcast_in_dim3A_352, %get3A_36], %mul3A_386 : memref<128x256xf32, #tpu.memory_space<vmem>>[vector<16xi32>, vector<16xi32>], vector<16xf32>,
        %add3A_392 = arith.constant 3 : i32
        %add3A_393 = arith.addi %mul3A_185, %add3A_392 : i32
        %get3A_394 = arith.constant 0 : i32
        %get3A_395 = arith.index_cast %get3A_394 : i32 to index
        %get3A_396 = arith.index_cast %add3A_393 : i32 to index
        %get3A_397 = arith.constant 48 : index
        %get3A_398 = tpu.vector_load %arg8[%get3A_395, %get3A_396, %get3A_397] {strides = array<i32>} : memref<2x128x64xf32, #tpu.memory_space<vmem>>, vector<16xf32>,
        %mul3A_399 = arith.mulf %get3A_398, %get3A_46 : vector<16xf32>
        %scatter3A_400 = arith.constant 0 : i32
        %scatter3A_401 = arith.constant 0 : i32
        %scatter3A_402 = arith.constant 0 : i32
        %scatter3A_403 = tpu.memref_slice %arg9[%scatter3A_400, %scatter3A_401, %scatter3A_402] : memref<2x128x256xf32, #tpu.memory_space<vmem>> -> memref<1x128x256xf32, #tpu.memory_space<vmem>>
        %scatter3A_404 = tpu.memref_squeeze %scatter3A_403 : memref<1x128x256xf32, #tpu.memory_space<vmem>> -> memref<128x256xf32, #tpu.memory_space<vmem>>
        tpu.vector_store_idx %scatter3A_404[%broadcast_in_dim3A_352, %get3A_38], %mul3A_399 : memref<128x256xf32, #tpu.memory_space<vmem>>[vector<16xi32>, vector<16xi32>], vector<16xf32>,
      }
      %scan3A_112 = arith.constant 32 : i32
      %dma_start3A_113 = arith.constant 0 : i32
      %dma_start3A_114 = arith.constant 0 : i32
      %dma_start3A_115 = arith.constant 0 : i32
      %dma_start3A_116 = tpu.memref_slice %arg9[%dma_start3A_113, %dma_start3A_114, %dma_start3A_115] : memref<2x128x256xf32, #tpu.memory_space<vmem>> -> memref<1x128x256xf32, #tpu.memory_space<vmem>>
      %dma_start3A_117 = tpu.memref_squeeze %dma_start3A_116 : memref<1x128x256xf32, #tpu.memory_space<vmem>> -> memref<128x256xf32, #tpu.memory_space<vmem>>
      %dma_start3A_118 = arith.constant 0 : i32
      %dma_start3A_119 = tpu.memref_slice %arg5[%add3A_91, %dma_start3A_118] : memref<65536x256xf32, #tpu.memory_space<hbm>> -> memref<128x256xf32, #tpu.memory_space<hbm>>
      %dma_start3A_120 = arith.constant 0 : i32
      %dma_start3A_121 = tpu.memref_slice %arg5[%add3A_91, %dma_start3A_120] : memref<65536x256xf32, #tpu.memory_space<hbm>> -> memref<128x256xf32, #tpu.memory_space<hbm>>
      %dma_start3A_122 = arith.constant 0 : i32
      %dma_start3A_123 = arith.constant 0 : i32
      %dma_start3A_124 = tpu.memref_slice %arg9[%dma_start3A_113, %dma_start3A_122, %dma_start3A_123] : memref<2x128x256xf32, #tpu.memory_space<vmem>> -> memref<1x128x256xf32, #tpu.memory_space<vmem>>
      %dma_start3A_125 = tpu.memref_squeeze %dma_start3A_124 : memref<1x128x256xf32, #tpu.memory_space<vmem>> -> memref<128x256xf32, #tpu.memory_space<vmem>>
      tpu.enqueue_dma source(%dma_start3A_125 : memref<128x256xf32, #tpu.memory_space<vmem>>) target(%dma_start3A_121 : memref<128x256xf32, #tpu.memory_space<hbm>>) target_semaphore(%arg12 : memref<!tpu.dma_semaphore, #tpu.memory_space<semaphore_mem>>)
      %add3A_126 = arith.constant 2 : i32
      %add3A_127 = arith.addi %add3A_88, %add3A_126 : i32
      %lt3A = arith.constant 16 : i32
      %lt3A_128 = arith.cmpi slt, %add3A_127, %lt3A : i32
      %convert_element_type3A_129 = arith.extui %lt3A_128 : i1 to i32
      %cond3A_130 = arith.constant 0 : i32
      %cond3A_131 = arith.cmpi ne, %convert_element_type3A_129, %cond3A_130 : i32
      scf.if %cond3A_131 {
        %add3A_183 = arith.constant 256 : i32
        %add3A_184 = arith.addi %add3A_91, %add3A_183 : i32
        %dma_start3A_185 = arith.constant 0 : i32
        %dma_start3A_186 = arith.constant 0 : i32
        %dma_start3A_187 = arith.constant 0 : i32
        %dma_start3A_188 = tpu.memref_slice %arg8[%dma_start3A_185, %dma_start3A_186, %dma_start3A_187] : memref<2x128x64xf32, #tpu.memory_space<vmem>> -> memref<1x128x64xf32, #tpu.memory_space<vmem>>
        %dma_start3A_189 = tpu.memref_squeeze %dma_start3A_188 : memref<1x128x64xf32, #tpu.memory_space<vmem>> -> memref<128x64xf32, #tpu.memory_space<vmem>>
        %dma_start3A_190 = arith.constant 0 : i32
        %dma_start3A_191 = tpu.memref_slice %arg2[%add3A_184, %dma_start3A_190] : memref<65536x64xf32, #tpu.memory_space<hbm>> -> memref<128x64xf32, #tpu.memory_space<hbm>>
        %dma_start3A_192 = arith.constant 0 : i32
        %dma_start3A_193 = arith.constant 0 : i32
        %dma_start3A_194 = tpu.memref_slice %arg8[%dma_start3A_185, %dma_start3A_192, %dma_start3A_193] : memref<2x128x64xf32, #tpu.memory_space<vmem>> -> memref<1x128x64xf32, #tpu.memory_space<vmem>>
        %dma_start3A_195 = tpu.memref_squeeze %dma_start3A_194 : memref<1x128x64xf32, #tpu.memory_space<vmem>> -> memref<128x64xf32, #tpu.memory_space<vmem>>
        %dma_start3A_196 = arith.constant 0 : i32
        %dma_start3A_197 = tpu.memref_slice %arg2[%add3A_184, %dma_start3A_196] : memref<65536x64xf32, #tpu.memory_space<hbm>> -> memref<128x64xf32, #tpu.memory_space<hbm>>
        tpu.enqueue_dma source(%dma_start3A_197 : memref<128x64xf32, #tpu.memory_space<hbm>>) target(%dma_start3A_195 : memref<128x64xf32, #tpu.memory_space<vmem>>) target_semaphore(%arg10 : memref<!tpu.dma_semaphore, #tpu.memory_space<semaphore_mem>>)
      } else {
      }
      %mul3A_132 = arith.constant 2 : i32
      %mul3A_133 = arith.muli %mul3A_132, %scan3A_84 : i32
      %add3A_134 = arith.constant 1 : i32
      %add3A_135 = arith.addi %mul3A_133, %add3A_134 : i32
      %mul3A_136 = arith.constant 128 : i32
      %mul3A_137 = arith.muli %add3A_135, %mul3A_136 : i32
      %add3A_138 = arith.addi %mul3A_2, %mul3A_137 : i32
      %dma_wait3A_139 = arith.constant 1 : i32
      %dma_wait3A_140 = arith.constant 0 : i32
      %dma_wait3A_141 = arith.constant 0 : i32
      %dma_wait3A_142 = tpu.memref_slice %arg8[%dma_wait3A_139, %dma_wait3A_140, %dma_wait3A_141] : memref<2x128x64xf32, #tpu.memory_space<vmem>> -> memref<1x128x64xf32, #tpu.memory_space<vmem>>
      %dma_wait3A_143 = tpu.memref_squeeze %dma_wait3A_142 : memref<1x128x64xf32, #tpu.memory_space<vmem>> -> memref<128x64xf32, #tpu.memory_space<vmem>>
      %dma_wait3A_144 = arith.constant 0 : i32
      %dma_wait3A_145 = tpu.memref_slice %arg2[%add3A_138, %dma_wait3A_144] : memref<65536x64xf32, #tpu.memory_space<hbm>> -> memref<128x64xf32, #tpu.memory_space<hbm>>
      %dma_wait3A_146 = arith.constant 0 : i32
      %dma_wait3A_147 = arith.constant 0 : i32
      %dma_wait3A_148 = tpu.memref_slice %arg8[%dma_wait3A_139, %dma_wait3A_146, %dma_wait3A_147] : memref<2x128x64xf32, #tpu.memory_space<vmem>> -> memref<1x128x64xf32, #tpu.memory_space<vmem>>
      %dma_wait3A_149 = tpu.memref_squeeze %dma_wait3A_148 : memref<1x128x64xf32, #tpu.memory_space<vmem>> -> memref<128x64xf32, #tpu.memory_space<vmem>>
      %dma_wait3A_150 = arith.constant 0 : i32
      %dma_wait3A_151 = tpu.memref_slice %arg2[%add3A_138, %dma_wait3A_150] : memref<65536x64xf32, #tpu.memory_space<hbm>> -> memref<128x64xf32, #tpu.memory_space<hbm>>
      tpu.wait_dma2 semaphore(%arg11 : memref<!tpu.dma_semaphore, #tpu.memory_space<semaphore_mem>>) src(%dma_wait3A_151 : memref<128x64xf32, #tpu.memory_space<hbm>>) dst(%dma_wait3A_149 : memref<128x64xf32, #tpu.memory_space<vmem>>)
      %ge3A_152 = arith.constant 2 : i32
      %ge3A_153 = arith.cmpi sge, %add3A_135, %ge3A_152 : i32
      %convert_element_type3A_154 = arith.extui %ge3A_153 : i1 to i32
      %cond3A_155 = arith.constant 0 : i32
      %cond3A_156 = arith.cmpi ne, %convert_element_type3A_154, %cond3A_155 : i32
      scf.if %cond3A_156 {
        %dma_wait3A_183 = arith.constant 1 : i32
        %dma_wait3A_184 = arith.constant 0 : i32
        %dma_wait3A_185 = arith.constant 0 : i32
        %dma_wait3A_186 = tpu.memref_slice %arg9[%dma_wait3A_183, %dma_wait3A_184, %dma_wait3A_185] : memref<2x128x256xf32, #tpu.memory_space<vmem>> -> memref<1x128x256xf32, #tpu.memory_space<vmem>>
        %dma_wait3A_187 = tpu.memref_squeeze %dma_wait3A_186 : memref<1x128x256xf32, #tpu.memory_space<vmem>> -> memref<128x256xf32, #tpu.memory_space<vmem>>
        %dma_wait3A_188 = arith.constant 0 : i32
        %dma_wait3A_189 = tpu.memref_slice %arg5[%add3A_138, %dma_wait3A_188] : memref<65536x256xf32, #tpu.memory_space<hbm>> -> memref<128x256xf32, #tpu.memory_space<hbm>>
        %dma_wait3A_190 = arith.constant 0 : i32
        %dma_wait3A_191 = tpu.memref_slice %arg5[%add3A_138, %dma_wait3A_190] : memref<65536x256xf32, #tpu.memory_space<hbm>> -> memref<128x256xf32, #tpu.memory_space<hbm>>
        %dma_wait3A_192 = arith.constant 0 : i32
        %dma_wait3A_193 = arith.constant 0 : i32
        %dma_wait3A_194 = tpu.memref_slice %arg9[%dma_wait3A_183, %dma_wait3A_192, %dma_wait3A_193] : memref<2x128x256xf32, #tpu.memory_space<vmem>> -> memref<1x128x256xf32, #tpu.memory_space<vmem>>
        %dma_wait3A_195 = tpu.memref_squeeze %dma_wait3A_194 : memref<1x128x256xf32, #tpu.memory_space<vmem>> -> memref<128x256xf32, #tpu.memory_space<vmem>>
        tpu.wait_dma2 semaphore(%arg13 : memref<!tpu.dma_semaphore, #tpu.memory_space<semaphore_mem>>) src(%dma_wait3A_195 : memref<128x256xf32, #tpu.memory_space<vmem>>) dst(%dma_wait3A_191 : memref<128x256xf32, #tpu.memory_space<hbm>>)
      } else {
      }
      %scan3A_157 = arith.constant 0 : i32
      %scan3A_158 = arith.constant 0 : i32
      %scan3A_159 = arith.constant 32 : i32
      %scan3A_160 = arith.addi %scan3A_158, %scan3A_159 : i32
      %scan3A_161 = arith.constant 1 : i32
      scf.for %scan3A_183 = %scan3A_158 to %scan3A_160 step %scan3A_161  : i32 {
        %mul3A_184 = arith.constant 4 : i32
        %mul3A_185 = arith.muli %scan3A_183, %mul3A_184 : i32
        %add3A_186 = arith.constant 0 : i32
        %add3A_187 = arith.addi %mul3A_185, %add3A_186 : i32
        %broadcast_in_dim3A_188 = vector.broadcast %add3A_187 : i32 to vector<16xi32>
        %add3A_189 = arith.constant 0 : i32
        %add3A_190 = arith.addi %mul3A_185, %add3A_189 : i32
        %get3A_191 = arith.constant 1 : i32
        %get3A_192 = arith.index_cast %get3A_191 : i32 to index
        %get3A_193 = arith.index_cast %add3A_190 : i32 to index
        %get3A_194 = arith.constant 0 : index
        %get3A_195 = tpu.vector_load %arg8[%get3A_192, %get3A_193, %get3A_194] {strides = array<i32>} : memref<2x128x64xf32, #tpu.memory_space<vmem>>, vector<16xf32>,
        %mul3A_196 = arith.mulf %get3A_195, %get3A_40 : vector<16xf32>
        %scatter3A = arith.constant 1 : i32
        %scatter3A_197 = arith.constant 0 : i32
        %scatter3A_198 = arith.constant 0 : i32
        %scatter3A_199 = tpu.memref_slice %arg9[%scatter3A, %scatter3A_197, %scatter3A_198] : memref<2x128x256xf32, #tpu.memory_space<vmem>> -> memref<1x128x256xf32, #tpu.memory_space<vmem>>
        %scatter3A_200 = tpu.memref_squeeze %scatter3A_199 : memref<1x128x256xf32, #tpu.memory_space<vmem>> -> memref<128x256xf32, #tpu.memory_space<vmem>>
        tpu.vector_store_idx %scatter3A_200[%broadcast_in_dim3A_188, %get3A_32], %mul3A_196 : memref<128x256xf32, #tpu.memory_space<vmem>>[vector<16xi32>, vector<16xi32>], vector<16xf32>,
        %add3A_201 = arith.constant 0 : i32
        %add3A_202 = arith.addi %mul3A_185, %add3A_201 : i32
        %get3A_203 = arith.constant 1 : i32
        %get3A_204 = arith.index_cast %get3A_203 : i32 to index
        %get3A_205 = arith.index_cast %add3A_202 : i32 to index
        %get3A_206 = arith.constant 16 : index
        %get3A_207 = tpu.vector_load %arg8[%get3A_204, %get3A_205, %get3A_206] {strides = array<i32>} : memref<2x128x64xf32, #tpu.memory_space<vmem>>, vector<16xf32>,
        %mul3A_208 = arith.mulf %get3A_207, %get3A_42 : vector<16xf32>
        %scatter3A_209 = arith.constant 1 : i32
        %scatter3A_210 = arith.constant 0 : i32
        %scatter3A_211 = arith.constant 0 : i32
        %scatter3A_212 = tpu.memref_slice %arg9[%scatter3A_209, %scatter3A_210, %scatter3A_211] : memref<2x128x256xf32, #tpu.memory_space<vmem>> -> memref<1x128x256xf32, #tpu.memory_space<vmem>>
        %scatter3A_213 = tpu.memref_squeeze %scatter3A_212 : memref<1x128x256xf32, #tpu.memory_space<vmem>> -> memref<128x256xf32, #tpu.memory_space<vmem>>
        tpu.vector_store_idx %scatter3A_213[%broadcast_in_dim3A_188, %get3A_34], %mul3A_208 : memref<128x256xf32, #tpu.memory_space<vmem>>[vector<16xi32>, vector<16xi32>], vector<16xf32>,
        %add3A_214 = arith.constant 0 : i32
        %add3A_215 = arith.addi %mul3A_185, %add3A_214 : i32
        %get3A_216 = arith.constant 1 : i32
        %get3A_217 = arith.index_cast %get3A_216 : i32 to index
        %get3A_218 = arith.index_cast %add3A_215 : i32 to index
        %get3A_219 = arith.constant 32 : index
        %get3A_220 = tpu.vector_load %arg8[%get3A_217, %get3A_218, %get3A_219] {strides = array<i32>} : memref<2x128x64xf32, #tpu.memory_space<vmem>>, vector<16xf32>,
        %mul3A_221 = arith.mulf %get3A_220, %get3A_44 : vector<16xf32>
        %scatter3A_222 = arith.constant 1 : i32
        %scatter3A_223 = arith.constant 0 : i32
        %scatter3A_224 = arith.constant 0 : i32
        %scatter3A_225 = tpu.memref_slice %arg9[%scatter3A_222, %scatter3A_223, %scatter3A_224] : memref<2x128x256xf32, #tpu.memory_space<vmem>> -> memref<1x128x256xf32, #tpu.memory_space<vmem>>
        %scatter3A_226 = tpu.memref_squeeze %scatter3A_225 : memref<1x128x256xf32, #tpu.memory_space<vmem>> -> memref<128x256xf32, #tpu.memory_space<vmem>>
        tpu.vector_store_idx %scatter3A_226[%broadcast_in_dim3A_188, %get3A_36], %mul3A_221 : memref<128x256xf32, #tpu.memory_space<vmem>>[vector<16xi32>, vector<16xi32>], vector<16xf32>,
        %add3A_227 = arith.constant 0 : i32
        %add3A_228 = arith.addi %mul3A_185, %add3A_227 : i32
        %get3A_229 = arith.constant 1 : i32
        %get3A_230 = arith.index_cast %get3A_229 : i32 to index
        %get3A_231 = arith.index_cast %add3A_228 : i32 to index
        %get3A_232 = arith.constant 48 : index
        %get3A_233 = tpu.vector_load %arg8[%get3A_230, %get3A_231, %get3A_232] {strides = array<i32>} : memref<2x128x64xf32, #tpu.memory_space<vmem>>, vector<16xf32>,
        %mul3A_234 = arith.mulf %get3A_233, %get3A_46 : vector<16xf32>
        %scatter3A_235 = arith.constant 1 : i32
        %scatter3A_236 = arith.constant 0 : i32
        %scatter3A_237 = arith.constant 0 : i32
        %scatter3A_238 = tpu.memref_slice %arg9[%scatter3A_235, %scatter3A_236, %scatter3A_237] : memref<2x128x256xf32, #tpu.memory_space<vmem>> -> memref<1x128x256xf32, #tpu.memory_space<vmem>>
        %scatter3A_239 = tpu.memref_squeeze %scatter3A_238 : memref<1x128x256xf32, #tpu.memory_space<vmem>> -> memref<128x256xf32, #tpu.memory_space<vmem>>
        tpu.vector_store_idx %scatter3A_239[%broadcast_in_dim3A_188, %get3A_38], %mul3A_234 : memref<128x256xf32, #tpu.memory_space<vmem>>[vector<16xi32>, vector<16xi32>], vector<16xf32>,
        %add3A_240 = arith.constant 1 : i32
        %add3A_241 = arith.addi %mul3A_185, %add3A_240 : i32
        %broadcast_in_dim3A_242 = vector.broadcast %add3A_241 : i32 to vector<16xi32>
        %add3A_243 = arith.constant 1 : i32
        %add3A_244 = arith.addi %mul3A_185, %add3A_243 : i32
        %get3A_245 = arith.constant 1 : i32
        %get3A_246 = arith.index_cast %get3A_245 : i32 to index
        %get3A_247 = arith.index_cast %add3A_244 : i32 to index
        %get3A_248 = arith.constant 0 : index
        %get3A_249 = tpu.vector_load %arg8[%get3A_246, %get3A_247, %get3A_248] {strides = array<i32>} : memref<2x128x64xf32, #tpu.memory_space<vmem>>, vector<16xf32>,
        %mul3A_250 = arith.mulf %get3A_249, %get3A_40 : vector<16xf32>
        %scatter3A_251 = arith.constant 1 : i32
        %scatter3A_252 = arith.constant 0 : i32
        %scatter3A_253 = arith.constant 0 : i32
        %scatter3A_254 = tpu.memref_slice %arg9[%scatter3A_251, %scatter3A_252, %scatter3A_253] : memref<2x128x256xf32, #tpu.memory_space<vmem>> -> memref<1x128x256xf32, #tpu.memory_space<vmem>>
        %scatter3A_255 = tpu.memref_squeeze %scatter3A_254 : memref<1x128x256xf32, #tpu.memory_space<vmem>> -> memref<128x256xf32, #tpu.memory_space<vmem>>
        tpu.vector_store_idx %scatter3A_255[%broadcast_in_dim3A_242, %get3A_32], %mul3A_250 : memref<128x256xf32, #tpu.memory_space<vmem>>[vector<16xi32>, vector<16xi32>], vector<16xf32>,
        %add3A_256 = arith.constant 1 : i32
        %add3A_257 = arith.addi %mul3A_185, %add3A_256 : i32
        %get3A_258 = arith.constant 1 : i32
        %get3A_259 = arith.index_cast %get3A_258 : i32 to index
        %get3A_260 = arith.index_cast %add3A_257 : i32 to index
        %get3A_261 = arith.constant 16 : index
        %get3A_262 = tpu.vector_load %arg8[%get3A_259, %get3A_260, %get3A_261] {strides = array<i32>} : memref<2x128x64xf32, #tpu.memory_space<vmem>>, vector<16xf32>,
        %mul3A_263 = arith.mulf %get3A_262, %get3A_42 : vector<16xf32>
        %scatter3A_264 = arith.constant 1 : i32
        %scatter3A_265 = arith.constant 0 : i32
        %scatter3A_266 = arith.constant 0 : i32
        %scatter3A_267 = tpu.memref_slice %arg9[%scatter3A_264, %scatter3A_265, %scatter3A_266] : memref<2x128x256xf32, #tpu.memory_space<vmem>> -> memref<1x128x256xf32, #tpu.memory_space<vmem>>
        %scatter3A_268 = tpu.memref_squeeze %scatter3A_267 : memref<1x128x256xf32, #tpu.memory_space<vmem>> -> memref<128x256xf32, #tpu.memory_space<vmem>>
        tpu.vector_store_idx %scatter3A_268[%broadcast_in_dim3A_242, %get3A_34], %mul3A_263 : memref<128x256xf32, #tpu.memory_space<vmem>>[vector<16xi32>, vector<16xi32>], vector<16xf32>,
        %add3A_269 = arith.constant 1 : i32
        %add3A_270 = arith.addi %mul3A_185, %add3A_269 : i32
        %get3A_271 = arith.constant 1 : i32
        %get3A_272 = arith.index_cast %get3A_271 : i32 to index
        %get3A_273 = arith.index_cast %add3A_270 : i32 to index
        %get3A_274 = arith.constant 32 : index
        %get3A_275 = tpu.vector_load %arg8[%get3A_272, %get3A_273, %get3A_274] {strides = array<i32>} : memref<2x128x64xf32, #tpu.memory_space<vmem>>, vector<16xf32>,
        %mul3A_276 = arith.mulf %get3A_275, %get3A_44 : vector<16xf32>
        %scatter3A_277 = arith.constant 1 : i32
        %scatter3A_278 = arith.constant 0 : i32
        %scatter3A_279 = arith.constant 0 : i32
        %scatter3A_280 = tpu.memref_slice %arg9[%scatter3A_277, %scatter3A_278, %scatter3A_279] : memref<2x128x256xf32, #tpu.memory_space<vmem>> -> memref<1x128x256xf32, #tpu.memory_space<vmem>>
        %scatter3A_281 = tpu.memref_squeeze %scatter3A_280 : memref<1x128x256xf32, #tpu.memory_space<vmem>> -> memref<128x256xf32, #tpu.memory_space<vmem>>
        tpu.vector_store_idx %scatter3A_281[%broadcast_in_dim3A_242, %get3A_36], %mul3A_276 : memref<128x256xf32, #tpu.memory_space<vmem>>[vector<16xi32>, vector<16xi32>], vector<16xf32>,
        %add3A_282 = arith.constant 1 : i32
        %add3A_283 = arith.addi %mul3A_185, %add3A_282 : i32
        %get3A_284 = arith.constant 1 : i32
        %get3A_285 = arith.index_cast %get3A_284 : i32 to index
        %get3A_286 = arith.index_cast %add3A_283 : i32 to index
        %get3A_287 = arith.constant 48 : index
        %get3A_288 = tpu.vector_load %arg8[%get3A_285, %get3A_286, %get3A_287] {strides = array<i32>} : memref<2x128x64xf32, #tpu.memory_space<vmem>>, vector<16xf32>,
        %mul3A_289 = arith.mulf %get3A_288, %get3A_46 : vector<16xf32>
        %scatter3A_290 = arith.constant 1 : i32
        %scatter3A_291 = arith.constant 0 : i32
        %scatter3A_292 = arith.constant 0 : i32
        %scatter3A_293 = tpu.memref_slice %arg9[%scatter3A_290, %scatter3A_291, %scatter3A_292] : memref<2x128x256xf32, #tpu.memory_space<vmem>> -> memref<1x128x256xf32, #tpu.memory_space<vmem>>
        %scatter3A_294 = tpu.memref_squeeze %scatter3A_293 : memref<1x128x256xf32, #tpu.memory_space<vmem>> -> memref<128x256xf32, #tpu.memory_space<vmem>>
        tpu.vector_store_idx %scatter3A_294[%broadcast_in_dim3A_242, %get3A_38], %mul3A_289 : memref<128x256xf32, #tpu.memory_space<vmem>>[vector<16xi32>, vector<16xi32>], vector<16xf32>,
        %add3A_295 = arith.constant 2 : i32
        %add3A_296 = arith.addi %mul3A_185, %add3A_295 : i32
        %broadcast_in_dim3A_297 = vector.broadcast %add3A_296 : i32 to vector<16xi32>
        %add3A_298 = arith.constant 2 : i32
        %add3A_299 = arith.addi %mul3A_185, %add3A_298 : i32
        %get3A_300 = arith.constant 1 : i32
        %get3A_301 = arith.index_cast %get3A_300 : i32 to index
        %get3A_302 = arith.index_cast %add3A_299 : i32 to index
        %get3A_303 = arith.constant 0 : index
        %get3A_304 = tpu.vector_load %arg8[%get3A_301, %get3A_302, %get3A_303] {strides = array<i32>} : memref<2x128x64xf32, #tpu.memory_space<vmem>>, vector<16xf32>,
        %mul3A_305 = arith.mulf %get3A_304, %get3A_40 : vector<16xf32>
        %scatter3A_306 = arith.constant 1 : i32
        %scatter3A_307 = arith.constant 0 : i32
        %scatter3A_308 = arith.constant 0 : i32
        %scatter3A_309 = tpu.memref_slice %arg9[%scatter3A_306, %scatter3A_307, %scatter3A_308] : memref<2x128x256xf32, #tpu.memory_space<vmem>> -> memref<1x128x256xf32, #tpu.memory_space<vmem>>
        %scatter3A_310 = tpu.memref_squeeze %scatter3A_309 : memref<1x128x256xf32, #tpu.memory_space<vmem>> -> memref<128x256xf32, #tpu.memory_space<vmem>>
        tpu.vector_store_idx %scatter3A_310[%broadcast_in_dim3A_297, %get3A_32], %mul3A_305 : memref<128x256xf32, #tpu.memory_space<vmem>>[vector<16xi32>, vector<16xi32>], vector<16xf32>,
        %add3A_311 = arith.constant 2 : i32
        %add3A_312 = arith.addi %mul3A_185, %add3A_311 : i32
        %get3A_313 = arith.constant 1 : i32
        %get3A_314 = arith.index_cast %get3A_313 : i32 to index
        %get3A_315 = arith.index_cast %add3A_312 : i32 to index
        %get3A_316 = arith.constant 16 : index
        %get3A_317 = tpu.vector_load %arg8[%get3A_314, %get3A_315, %get3A_316] {strides = array<i32>} : memref<2x128x64xf32, #tpu.memory_space<vmem>>, vector<16xf32>,
        %mul3A_318 = arith.mulf %get3A_317, %get3A_42 : vector<16xf32>
        %scatter3A_319 = arith.constant 1 : i32
        %scatter3A_320 = arith.constant 0 : i32
        %scatter3A_321 = arith.constant 0 : i32
        %scatter3A_322 = tpu.memref_slice %arg9[%scatter3A_319, %scatter3A_320, %scatter3A_321] : memref<2x128x256xf32, #tpu.memory_space<vmem>> -> memref<1x128x256xf32, #tpu.memory_space<vmem>>
        %scatter3A_323 = tpu.memref_squeeze %scatter3A_322 : memref<1x128x256xf32, #tpu.memory_space<vmem>> -> memref<128x256xf32, #tpu.memory_space<vmem>>
        tpu.vector_store_idx %scatter3A_323[%broadcast_in_dim3A_297, %get3A_34], %mul3A_318 : memref<128x256xf32, #tpu.memory_space<vmem>>[vector<16xi32>, vector<16xi32>], vector<16xf32>,
        %add3A_324 = arith.constant 2 : i32
        %add3A_325 = arith.addi %mul3A_185, %add3A_324 : i32
        %get3A_326 = arith.constant 1 : i32
        %get3A_327 = arith.index_cast %get3A_326 : i32 to index
        %get3A_328 = arith.index_cast %add3A_325 : i32 to index
        %get3A_329 = arith.constant 32 : index
        %get3A_330 = tpu.vector_load %arg8[%get3A_327, %get3A_328, %get3A_329] {strides = array<i32>} : memref<2x128x64xf32, #tpu.memory_space<vmem>>, vector<16xf32>,
        %mul3A_331 = arith.mulf %get3A_330, %get3A_44 : vector<16xf32>
        %scatter3A_332 = arith.constant 1 : i32
        %scatter3A_333 = arith.constant 0 : i32
        %scatter3A_334 = arith.constant 0 : i32
        %scatter3A_335 = tpu.memref_slice %arg9[%scatter3A_332, %scatter3A_333, %scatter3A_334] : memref<2x128x256xf32, #tpu.memory_space<vmem>> -> memref<1x128x256xf32, #tpu.memory_space<vmem>>
        %scatter3A_336 = tpu.memref_squeeze %scatter3A_335 : memref<1x128x256xf32, #tpu.memory_space<vmem>> -> memref<128x256xf32, #tpu.memory_space<vmem>>
        tpu.vector_store_idx %scatter3A_336[%broadcast_in_dim3A_297, %get3A_36], %mul3A_331 : memref<128x256xf32, #tpu.memory_space<vmem>>[vector<16xi32>, vector<16xi32>], vector<16xf32>,
        %add3A_337 = arith.constant 2 : i32
        %add3A_338 = arith.addi %mul3A_185, %add3A_337 : i32
        %get3A_339 = arith.constant 1 : i32
        %get3A_340 = arith.index_cast %get3A_339 : i32 to index
        %get3A_341 = arith.index_cast %add3A_338 : i32 to index
        %get3A_342 = arith.constant 48 : index
        %get3A_343 = tpu.vector_load %arg8[%get3A_340, %get3A_341, %get3A_342] {strides = array<i32>} : memref<2x128x64xf32, #tpu.memory_space<vmem>>, vector<16xf32>,
        %mul3A_344 = arith.mulf %get3A_343, %get3A_46 : vector<16xf32>
        %scatter3A_345 = arith.constant 1 : i32
        %scatter3A_346 = arith.constant 0 : i32
        %scatter3A_347 = arith.constant 0 : i32
        %scatter3A_348 = tpu.memref_slice %arg9[%scatter3A_345, %scatter3A_346, %scatter3A_347] : memref<2x128x256xf32, #tpu.memory_space<vmem>> -> memref<1x128x256xf32, #tpu.memory_space<vmem>>
        %scatter3A_349 = tpu.memref_squeeze %scatter3A_348 : memref<1x128x256xf32, #tpu.memory_space<vmem>> -> memref<128x256xf32, #tpu.memory_space<vmem>>
        tpu.vector_store_idx %scatter3A_349[%broadcast_in_dim3A_297, %get3A_38], %mul3A_344 : memref<128x256xf32, #tpu.memory_space<vmem>>[vector<16xi32>, vector<16xi32>], vector<16xf32>,
        %add3A_350 = arith.constant 3 : i32
        %add3A_351 = arith.addi %mul3A_185, %add3A_350 : i32
        %broadcast_in_dim3A_352 = vector.broadcast %add3A_351 : i32 to vector<16xi32>
        %add3A_353 = arith.constant 3 : i32
        %add3A_354 = arith.addi %mul3A_185, %add3A_353 : i32
        %get3A_355 = arith.constant 1 : i32
        %get3A_356 = arith.index_cast %get3A_355 : i32 to index
        %get3A_357 = arith.index_cast %add3A_354 : i32 to index
        %get3A_358 = arith.constant 0 : index
        %get3A_359 = tpu.vector_load %arg8[%get3A_356, %get3A_357, %get3A_358] {strides = array<i32>} : memref<2x128x64xf32, #tpu.memory_space<vmem>>, vector<16xf32>,
        %mul3A_360 = arith.mulf %get3A_359, %get3A_40 : vector<16xf32>
        %scatter3A_361 = arith.constant 1 : i32
        %scatter3A_362 = arith.constant 0 : i32
        %scatter3A_363 = arith.constant 0 : i32
        %scatter3A_364 = tpu.memref_slice %arg9[%scatter3A_361, %scatter3A_362, %scatter3A_363] : memref<2x128x256xf32, #tpu.memory_space<vmem>> -> memref<1x128x256xf32, #tpu.memory_space<vmem>>
        %scatter3A_365 = tpu.memref_squeeze %scatter3A_364 : memref<1x128x256xf32, #tpu.memory_space<vmem>> -> memref<128x256xf32, #tpu.memory_space<vmem>>
        tpu.vector_store_idx %scatter3A_365[%broadcast_in_dim3A_352, %get3A_32], %mul3A_360 : memref<128x256xf32, #tpu.memory_space<vmem>>[vector<16xi32>, vector<16xi32>], vector<16xf32>,
        %add3A_366 = arith.constant 3 : i32
        %add3A_367 = arith.addi %mul3A_185, %add3A_366 : i32
        %get3A_368 = arith.constant 1 : i32
        %get3A_369 = arith.index_cast %get3A_368 : i32 to index
        %get3A_370 = arith.index_cast %add3A_367 : i32 to index
        %get3A_371 = arith.constant 16 : index
        %get3A_372 = tpu.vector_load %arg8[%get3A_369, %get3A_370, %get3A_371] {strides = array<i32>} : memref<2x128x64xf32, #tpu.memory_space<vmem>>, vector<16xf32>,
        %mul3A_373 = arith.mulf %get3A_372, %get3A_42 : vector<16xf32>
        %scatter3A_374 = arith.constant 1 : i32
        %scatter3A_375 = arith.constant 0 : i32
        %scatter3A_376 = arith.constant 0 : i32
        %scatter3A_377 = tpu.memref_slice %arg9[%scatter3A_374, %scatter3A_375, %scatter3A_376] : memref<2x128x256xf32, #tpu.memory_space<vmem>> -> memref<1x128x256xf32, #tpu.memory_space<vmem>>
        %scatter3A_378 = tpu.memref_squeeze %scatter3A_377 : memref<1x128x256xf32, #tpu.memory_space<vmem>> -> memref<128x256xf32, #tpu.memory_space<vmem>>
        tpu.vector_store_idx %scatter3A_378[%broadcast_in_dim3A_352, %get3A_34], %mul3A_373 : memref<128x256xf32, #tpu.memory_space<vmem>>[vector<16xi32>, vector<16xi32>], vector<16xf32>,
        %add3A_379 = arith.constant 3 : i32
        %add3A_380 = arith.addi %mul3A_185, %add3A_379 : i32
        %get3A_381 = arith.constant 1 : i32
        %get3A_382 = arith.index_cast %get3A_381 : i32 to index
        %get3A_383 = arith.index_cast %add3A_380 : i32 to index
        %get3A_384 = arith.constant 32 : index
        %get3A_385 = tpu.vector_load %arg8[%get3A_382, %get3A_383, %get3A_384] {strides = array<i32>} : memref<2x128x64xf32, #tpu.memory_space<vmem>>, vector<16xf32>,
        %mul3A_386 = arith.mulf %get3A_385, %get3A_44 : vector<16xf32>
        %scatter3A_387 = arith.constant 1 : i32
        %scatter3A_388 = arith.constant 0 : i32
        %scatter3A_389 = arith.constant 0 : i32
        %scatter3A_390 = tpu.memref_slice %arg9[%scatter3A_387, %scatter3A_388, %scatter3A_389] : memref<2x128x256xf32, #tpu.memory_space<vmem>> -> memref<1x128x256xf32, #tpu.memory_space<vmem>>
        %scatter3A_391 = tpu.memref_squeeze %scatter3A_390 : memref<1x128x256xf32, #tpu.memory_space<vmem>> -> memref<128x256xf32, #tpu.memory_space<vmem>>
        tpu.vector_store_idx %scatter3A_391[%broadcast_in_dim3A_352, %get3A_36], %mul3A_386 : memref<128x256xf32, #tpu.memory_space<vmem>>[vector<16xi32>, vector<16xi32>], vector<16xf32>,
        %add3A_392 = arith.constant 3 : i32
        %add3A_393 = arith.addi %mul3A_185, %add3A_392 : i32
        %get3A_394 = arith.constant 1 : i32
        %get3A_395 = arith.index_cast %get3A_394 : i32 to index
        %get3A_396 = arith.index_cast %add3A_393 : i32 to index
        %get3A_397 = arith.constant 48 : index
        %get3A_398 = tpu.vector_load %arg8[%get3A_395, %get3A_396, %get3A_397] {strides = array<i32>} : memref<2x128x64xf32, #tpu.memory_space<vmem>>, vector<16xf32>,
        %mul3A_399 = arith.mulf %get3A_398, %get3A_46 : vector<16xf32>
        %scatter3A_400 = arith.constant 1 : i32
        %scatter3A_401 = arith.constant 0 : i32
        %scatter3A_402 = arith.constant 0 : i32
        %scatter3A_403 = tpu.memref_slice %arg9[%scatter3A_400, %scatter3A_401, %scatter3A_402] : memref<2x128x256xf32, #tpu.memory_space<vmem>> -> memref<1x128x256xf32, #tpu.memory_space<vmem>>
        %scatter3A_404 = tpu.memref_squeeze %scatter3A_403 : memref<1x128x256xf32, #tpu.memory_space<vmem>> -> memref<128x256xf32, #tpu.memory_space<vmem>>
        tpu.vector_store_idx %scatter3A_404[%broadcast_in_dim3A_352, %get3A_38], %mul3A_399 : memref<128x256xf32, #tpu.memory_space<vmem>>[vector<16xi32>, vector<16xi32>], vector<16xf32>,
      }
      %scan3A_162 = arith.constant 32 : i32
      %dma_start3A_163 = arith.constant 1 : i32
      %dma_start3A_164 = arith.constant 0 : i32
      %dma_start3A_165 = arith.constant 0 : i32
      %dma_start3A_166 = tpu.memref_slice %arg9[%dma_start3A_163, %dma_start3A_164, %dma_start3A_165] : memref<2x128x256xf32, #tpu.memory_space<vmem>> -> memref<1x128x256xf32, #tpu.memory_space<vmem>>
      %dma_start3A_167 = tpu.memref_squeeze %dma_start3A_166 : memref<1x128x256xf32, #tpu.memory_space<vmem>> -> memref<128x256xf32, #tpu.memory_space<vmem>>
      %dma_start3A_168 = arith.constant 0 : i32
      %dma_start3A_169 = tpu.memref_slice %arg5[%add3A_138, %dma_start3A_168] : memref<65536x256xf32, #tpu.memory_space<hbm>> -> memref<128x256xf32, #tpu.memory_space<hbm>>
      %dma_start3A_170 = arith.constant 0 : i32
      %dma_start3A_171 = tpu.memref_slice %arg5[%add3A_138, %dma_start3A_170] : memref<65536x256xf32, #tpu.memory_space<hbm>> -> memref<128x256xf32, #tpu.memory_space<hbm>>
      %dma_start3A_172 = arith.constant 0 : i32
      %dma_start3A_173 = arith.constant 0 : i32
      %dma_start3A_174 = tpu.memref_slice %arg9[%dma_start3A_163, %dma_start3A_172, %dma_start3A_173] : memref<2x128x256xf32, #tpu.memory_space<vmem>> -> memref<1x128x256xf32, #tpu.memory_space<vmem>>
      %dma_start3A_175 = tpu.memref_squeeze %dma_start3A_174 : memref<1x128x256xf32, #tpu.memory_space<vmem>> -> memref<128x256xf32, #tpu.memory_space<vmem>>
      tpu.enqueue_dma source(%dma_start3A_175 : memref<128x256xf32, #tpu.memory_space<vmem>>) target(%dma_start3A_171 : memref<128x256xf32, #tpu.memory_space<hbm>>) target_semaphore(%arg13 : memref<!tpu.dma_semaphore, #tpu.memory_space<semaphore_mem>>)
      %add3A_176 = arith.constant 2 : i32
      %add3A_177 = arith.addi %add3A_135, %add3A_176 : i32
      %lt3A_178 = arith.constant 16 : i32
      %lt3A_179 = arith.cmpi slt, %add3A_177, %lt3A_178 : i32
      %convert_element_type3A_180 = arith.extui %lt3A_179 : i1 to i32
      %cond3A_181 = arith.constant 0 : i32
      %cond3A_182 = arith.cmpi ne, %convert_element_type3A_180, %cond3A_181 : i32
      scf.if %cond3A_182 {
        %add3A_183 = arith.constant 256 : i32
        %add3A_184 = arith.addi %add3A_138, %add3A_183 : i32
        %dma_start3A_185 = arith.constant 1 : i32
        %dma_start3A_186 = arith.constant 0 : i32
        %dma_start3A_187 = arith.constant 0 : i32
        %dma_start3A_188 = tpu.memref_slice %arg8[%dma_start3A_185, %dma_start3A_186, %dma_start3A_187] : memref<2x128x64xf32, #tpu.memory_space<vmem>> -> memref<1x128x64xf32, #tpu.memory_space<vmem>>
        %dma_start3A_189 = tpu.memref_squeeze %dma_start3A_188 : memref<1x128x64xf32, #tpu.memory_space<vmem>> -> memref<128x64xf32, #tpu.memory_space<vmem>>
        %dma_start3A_190 = arith.constant 0 : i32
        %dma_start3A_191 = tpu.memref_slice %arg2[%add3A_184, %dma_start3A_190] : memref<65536x64xf32, #tpu.memory_space<hbm>> -> memref<128x64xf32, #tpu.memory_space<hbm>>
        %dma_start3A_192 = arith.constant 0 : i32
        %dma_start3A_193 = arith.constant 0 : i32
        %dma_start3A_194 = tpu.memref_slice %arg8[%dma_start3A_185, %dma_start3A_192, %dma_start3A_193] : memref<2x128x64xf32, #tpu.memory_space<vmem>> -> memref<1x128x64xf32, #tpu.memory_space<vmem>>
        %dma_start3A_195 = tpu.memref_squeeze %dma_start3A_194 : memref<1x128x64xf32, #tpu.memory_space<vmem>> -> memref<128x64xf32, #tpu.memory_space<vmem>>
        %dma_start3A_196 = arith.constant 0 : i32
        %dma_start3A_197 = tpu.memref_slice %arg2[%add3A_184, %dma_start3A_196] : memref<65536x64xf32, #tpu.memory_space<hbm>> -> memref<128x64xf32, #tpu.memory_space<hbm>>
        tpu.enqueue_dma source(%dma_start3A_197 : memref<128x64xf32, #tpu.memory_space<hbm>>) target(%dma_start3A_195 : memref<128x64xf32, #tpu.memory_space<vmem>>) target_semaphore(%arg11 : memref<!tpu.dma_semaphore, #tpu.memory_space<semaphore_mem>>)
      } else {
      }
    }
    %scan3A_58 = arith.constant 8 : i32
    %dma_wait3A = arith.constant 0 : i32
    %dma_wait3A_59 = arith.constant 0 : i32
    %dma_wait3A_60 = arith.constant 0 : i32
    %dma_wait3A_61 = tpu.memref_slice %arg9[%dma_wait3A, %dma_wait3A_59, %dma_wait3A_60] : memref<2x128x256xf32, #tpu.memory_space<vmem>> -> memref<1x128x256xf32, #tpu.memory_space<vmem>>
    %dma_wait3A_62 = tpu.memref_squeeze %dma_wait3A_61 : memref<1x128x256xf32, #tpu.memory_space<vmem>> -> memref<128x256xf32, #tpu.memory_space<vmem>>
    %dma_wait3A_63 = arith.constant 0 : i32
    %dma_wait3A_64 = tpu.memref_slice %arg5[%mul3A_2, %dma_wait3A_63] : memref<65536x256xf32, #tpu.memory_space<hbm>> -> memref<128x256xf32, #tpu.memory_space<hbm>>
    %dma_wait3A_65 = arith.constant 0 : i32
    %dma_wait3A_66 = tpu.memref_slice %arg5[%mul3A_2, %dma_wait3A_65] : memref<65536x256xf32, #tpu.memory_space<hbm>> -> memref<128x256xf32, #tpu.memory_space<hbm>>
    %dma_wait3A_67 = arith.constant 0 : i32
    %dma_wait3A_68 = arith.constant 0 : i32
    %dma_wait3A_69 = tpu.memref_slice %arg9[%dma_wait3A, %dma_wait3A_67, %dma_wait3A_68] : memref<2x128x256xf32, #tpu.memory_space<vmem>> -> memref<1x128x256xf32, #tpu.memory_space<vmem>>
    %dma_wait3A_70 = tpu.memref_squeeze %dma_wait3A_69 : memref<1x128x256xf32, #tpu.memory_space<vmem>> -> memref<128x256xf32, #tpu.memory_space<vmem>>
    tpu.wait_dma2 semaphore(%arg12 : memref<!tpu.dma_semaphore, #tpu.memory_space<semaphore_mem>>) src(%dma_wait3A_70 : memref<128x256xf32, #tpu.memory_space<vmem>>) dst(%dma_wait3A_66 : memref<128x256xf32, #tpu.memory_space<hbm>>)
    %dma_wait3A_71 = arith.constant 1 : i32
    %dma_wait3A_72 = arith.constant 0 : i32
    %dma_wait3A_73 = arith.constant 0 : i32
    %dma_wait3A_74 = tpu.memref_slice %arg9[%dma_wait3A_71, %dma_wait3A_72, %dma_wait3A_73] : memref<2x128x256xf32, #tpu.memory_space<vmem>> -> memref<1x128x256xf32, #tpu.memory_space<vmem>>
    %dma_wait3A_75 = tpu.memref_squeeze %dma_wait3A_74 : memref<1x128x256xf32, #tpu.memory_space<vmem>> -> memref<128x256xf32, #tpu.memory_space<vmem>>
    %dma_wait3A_76 = arith.constant 0 : i32
    %dma_wait3A_77 = tpu.memref_slice %arg5[%mul3A_2, %dma_wait3A_76] : memref<65536x256xf32, #tpu.memory_space<hbm>> -> memref<128x256xf32, #tpu.memory_space<hbm>>
    %dma_wait3A_78 = arith.constant 0 : i32
    %dma_wait3A_79 = tpu.memref_slice %arg5[%mul3A_2, %dma_wait3A_78] : memref<65536x256xf32, #tpu.memory_space<hbm>> -> memref<128x256xf32, #tpu.memory_space<hbm>>
    %dma_wait3A_80 = arith.constant 0 : i32
    %dma_wait3A_81 = arith.constant 0 : i32
    %dma_wait3A_82 = tpu.memref_slice %arg9[%dma_wait3A_71, %dma_wait3A_80, %dma_wait3A_81] : memref<2x128x256xf32, #tpu.memory_space<vmem>> -> memref<1x128x256xf32, #tpu.memory_space<vmem>>
    %dma_wait3A_83 = tpu.memref_squeeze %dma_wait3A_82 : memref<1x128x256xf32, #tpu.memory_space<vmem>> -> memref<128x256xf32, #tpu.memory_space<vmem>>
    tpu.wait_dma2 semaphore(%arg13 : memref<!tpu.dma_semaphore, #tpu.memory_space<semaphore_mem>>) src(%dma_wait3A_83 : memref<128x256xf32, #tpu.memory_space<vmem>>) dst(%dma_wait3A_79 : memref<128x256xf32, #tpu.memory_space<hbm>>)
    return
  }
}

</mosaic_0001>

<sc_bundles>
// kernel: scatter_cols.3.cloned.1.call-start
scs
__scs_entry_jumppad:
0x0: {  	(pc) =	sbr.rel $0x88, $3  }
0x1: {  	(tag) =	ssettag $0x0;
	lr =	simm.s32 $0x1  }
0x2: {  	[smem:$0x3F9E] =	sst lr;
	_ =	strace $0xD0000000  }
0x3: {  	_ = 	snop  }
0x4: {  	_ = 	snop  }
0x5: {  	_ = 	snop  }
0x6: {  	_ = 	snop  }
0x7: {  	_ = 	snop  }
__scs_overlays_trampoline_lowered:
0x8: {  	[smem:$0x3FAD] =	sst s0  }
0x9: {  	[smem:$0x3FAE] =	sst s1  }
0xa: {  	[smem:$0x3FAF] =	sst s2  }
0xb: {  	[smem:$0x3FB0] =	sst s3  }
0xc: {  	[smem:$0x3FB1] =	sst s4  }
0xd: {  	[smem:$0x3FB2] =	sst s5  }
0xe: {  	[smem:$0x3FB3] =	sst s6  }
0xf: {  	[smem:$0x3FB4] =	sst s7  }
0x10: {  	[smem:$0x3FB5] =	sst s8  }
0x11: {  	[smem:$0x3FB6] =	sst s9;
	s0 =	simm.s32 @!p0 $0x0  }
0x12: {  	s1 =	sld [smem:$0x3F9C];
	s0 =	simm.s32 @p0 $0x1  }
0x13: {  	[smem:$0x3FB7] =	sst s0;
	s0 =	simm.s32 @!p1 $0x0  }
0x14: {  	s2 =	sld [smem:$0x3F9B];
	s0 =	simm.s32 @p1 $0x1  }
0x15: {  	[smem:$0x3FB8] =	sst s0;
	s0 =	simm.s32 @!p2 $0x0  }
0x16: {  	s3 =	sld [smem:$0x3FDB];
	s0 =	simm.s32 @p2 $0x1  }
0x17: {  	s4 =	simm.s32 $0x1BF5;
	[smem:$0x3FBA] =	sst s0  }
0x18: {  	s0 =	sld [smem:$0x3F9D];
	_ =	swait.ge [sflag:s4], $0x0  }
0x19: {  	s7 =	sld [smem:$0x3F9E]  }
0x1a: {  	s8 =	sadd.s32 $0xFFFFE003, lr  }
0x1b: {  	s9 =	sadd.s32 $0xFFFFFEF7, lr;
	s5 =	simm.s32 $0xFFFFFFFF;
	p2 =	slt.u32 s8, $0xFFFFF086  }
0x1c: {  	p1 =	slt.u32 s9, $0xF7A;
	s5 =	simm.s32 @!p2 $0x0  }
0x1d: {  	s5 =	simm.s32 @p1 $0x1;
	p0 =	seq.s32 s7, s2  }
0x1e: {  	s7 =	smul.u32 @!p0 $0xF7A, s2;
	p2 =	seq.s32 @!p0 s5, $0x0  }
0x1f: {  	s9 =	smul.u32 $0xF7A, s1;
	s8 =	simm.s32 @!p0 $0x1BF5;
	p2 =	por !p2, p0  }
0x20: {  	[sflag:s8] =	ssyncset.s32 @!p0 $0xFFFFF086;
	s6 =	sadd.s32 @!p0 s3, s7;
	s7 =	simm.s32 @!p0 $0x108  }
0x21: {  	s3 =	sadd.s32 s3, s9;
	s6 =	sadd.s32 @!p0 $0x88, s6;
	s7 =	simm.s32 @p2 $0x1082  }
0x22: {  	[simem:s7], [sflag:s8] =	dma.local @!p0 [hbm:s6], $0xF7A  }
0x23: {  	s9 =	sor.u32 $0xD0000000, s2;
	s6 =	simm.s32 $0x108;
	_ =	swait.ge @!p0 [sflag:s8], $0x0  }
0x24: {  	s3 =	sadd.s32 $0x88, s3;
	s6 =	simm.s32 @!p1 $0x1082;
	[sflag:s4] =	ssyncset.s32 $0xFFFFF086  }
0x25: {  	[simem:s6], [sflag:s4] =	dma.local [hbm:s3], $0xF7A  }
0x26: {  	[smem:$0x3F9E] =	sst s1;
	(tag) =	ssettag s2;
	_ =	strace s9  }
0x27: {  	s1 =	sld [smem:$0x3FAE]  }
0x28: {  	s2 =	sld [smem:$0x3FAF]  }
0x29: {  	s4 =	sld [smem:$0x3FB1]  }
0x2a: {  	p0 =	seq.s32 s5, $0x0;
	s5 =	sld [smem:$0x3FB2]  }
0x2b: {  	s6 =	sld [smem:$0x3FB3]  }
0x2c: {  	s7 =	sld [smem:$0x3FB4]  }
0x2d: {  	s3 =	simm.s32 $0x108;
	s8 =	sld [smem:$0x3FB5]  }
0x2e: {  	s3 =	simm.s32 @!p0 $0x1082;
	s9 =	sld [smem:$0x3FB6]  }
0x2f: {  	lr =	sadd.s32 s0, s3;
	s0 =	sld [smem:$0x3FAD]  }
0x30: {  	s3 =	sld [smem:$0x3FB0]  }
0x31: {  	[smem:$0x3FB9] =	sst s10  }
0x32: {  	s10 =	sld [smem:$0x3FB7];
	_ =	sdelay $0x3  }
0x33: {  	p0 =	seq.s32 s10, $0x1;
	s10 =	sld [smem:$0x3FB9];
	_ =	sdelay $0x3  }
0x34: {  	[smem:$0x3FB9] =	sst s10  }
0x35: {  	s10 =	sld [smem:$0x3FB8];
	_ =	sdelay $0x3  }
0x36: {  	p1 =	seq.s32 s10, $0x1;
	s10 =	sld [smem:$0x3FB9];
	_ =	sdelay $0x3  }
0x37: {  	[smem:$0x3FB9] =	sst s10  }
0x38: {  	s10 =	sld [smem:$0x3FBA]  }
0x39: {  	_ = 	snop;
	(pc) =	sbr.ind lr, $3  }
0x3a: {  	_ = 	snop  }
0x3b: {  	_ = 	snop  }
0x3c: {  	p2 =	seq.s32 s10, $0x1;
	s10 =	sld [smem:$0x3FB9]  }
0x3d: {  	_ =	shalt  }
0x3e: {  	_ =	shalt  }
0x3f: {  	_ =	shalt  }
0x40: {  	_ =	shalt  }
0x41: {  	_ =	shalt  }
0x42: {  	_ =	shalt  }
0x43: {  	_ =	shalt  }
0x44: {  	_ =	shalt  }
0x45: {  	_ =	shalt  }
0x46: {  	_ =	shalt  }
0x47: {  	_ =	shalt  }
0x48: {  	_ =	shalt  }
0x49: {  	_ =	shalt  }
0x4a: {  	_ =	shalt  }
0x4b: {  	_ =	shalt  }
0x4c: {  	_ =	shalt  }
0x4d: {  	_ =	shalt  }
0x4e: {  	_ =	shalt  }
0x4f: {  	_ =	shalt  }
0x50: {  	_ =	shalt  }
0x51: {  	_ =	shalt  }
0x52: {  	_ =	shalt  }
0x53: {  	_ =	shalt  }
0x54: {  	_ =	shalt  }
0x55: {  	_ =	shalt  }
0x56: {  	_ =	shalt  }
0x57: {  	_ =	shalt  }
0x58: {  	_ =	shalt  }
0x59: {  	_ =	shalt  }
0x5a: {  	_ =	shalt  }
0x5b: {  	_ =	shalt  }
0x5c: {  	_ =	shalt  }
0x5d: {  	_ =	shalt  }
0x5e: {  	_ =	shalt  }
0x5f: {  	_ =	shalt  }
0x60: {  	_ =	shalt  }
0x61: {  	_ =	shalt  }
0x62: {  	_ =	shalt  }
0x63: {  	_ =	shalt  }
0x64: {  	_ =	shalt  }
0x65: {  	_ =	shalt  }
0x66: {  	_ =	shalt  }
0x67: {  	_ =	shalt  }
0x68: {  	_ =	shalt  }
0x69: {  	_ =	shalt  }
0x6a: {  	_ =	shalt  }
0x6b: {  	_ =	shalt  }
0x6c: {  	_ =	shalt  }
0x6d: {  	_ =	shalt  }
0x6e: {  	_ =	shalt  }
0x6f: {  	_ =	shalt  }
0x70: {  	_ =	shalt  }
0x71: {  	_ =	shalt  }
0x72: {  	_ =	shalt  }
0x73: {  	_ =	shalt  }
0x74: {  	_ =	shalt  }
0x75: {  	_ =	shalt  }
0x76: {  	_ =	shalt  }
0x77: {  	_ =	shalt  }
0x78: {  	_ =	shalt  }
0x79: {  	_ =	shalt  }
0x7a: {  	_ =	shalt  }
0x7b: {  	_ =	shalt  }
0x7c: {  	_ =	shalt  }
0x7d: {  	_ =	shalt  }
0x7e: {  	_ =	shalt  }
0x7f: {  	_ =	shalt  }
0x80: {  	_ =	shalt  }
0x81: {  	_ =	shalt  }
0x82: {  	_ =	shalt  }
0x83: {  	_ =	shalt  }
0x84: {  	_ =	shalt  }
0x85: {  	_ =	shalt  }
0x86: {  	_ =	shalt  }
0x87: {  	_ =	shalt  }
.Lfunc_end0:
.L_simem_size_0:
called_computation_lowered:
.L_overlay_start_0:
0x88: {  	s2 =	sld [smem:$0x3FD9]  }
0x89: {  	s3 =	sld [smem:$0x3FFE];
	_ =	sdelay $0x1  }
0x8a: {  	s1 =	srdreg.scid  }
0x8b: {  	s0 =	sand.u32 $0x1, s1  }
0x8c: {  	s17 =	sshll.u32 s0, $0xA;
	s2 =	sadd.s32 s3, s2  }
0x8d: {  	s2 =	sadd.s32 s2, s17  }
0x8e: {  	[smem:$0x3FC5] =	sst s2  }
0x8f: {  	_ = 	snop  }
0x90: {  	s2 =	sld [smem:$0x3FC8]  }
0x91: {  	s18 =	sld [smem:$0x3FC7]  }
0x92: {  	s4 =	sld [smem:$0x3FD0];
	(tm) =	ssettm $0x1  }
0x93: {  	s5 =	sld [smem:$0x3FFB];
	_ =	sdelay $0x3  }
0x94: {  	_ =	strace s5  }
0x95: {  	s5 =	sld [smem:$0x3FFC];
	_ =	sdelay $0x3  }
0x96: {  	_ =	strace s5  }
0x97: {  	s5 =	sld [smem:$0x3FFD];
	_ =	sdelay $0x3  }
0x98: {  	_ =	strace s5  }
0x99: {  	_ =	strace $0x8FFFFFFF  }
0x9a: {  	s19 =	sld [smem:$0x3FDB];
	_ =	sdelay $0x1  }
0x9b: {  	s6 =	simm.s32 $_scs_section_size  }
0x9c: {  	s7 =	simm.s32 $_size__tile_overlayer_lowered;
	s8 =	simm.s32 $_tile_overlayer_lowered  }
0x9d: {  	s22 =	simm.s32 $0x1BFF;
	s21 =	sshll.u32 s8, $0x1;
	s5 =	sadd.s32 s6, s19  }
0x9e: {  	s9 =	simm.s32 $0x0;
	s20 =	sshll.u32 s7, $0x1;
	s7 =	sadd.s32 s21, s5  }
0x9f: {  	[timem:s9], [sflag:s22] =	dma.local [hbm:s7], s20  }
0xa0: {  	_ =	swait.ge [sflag:s22], s20  }
0xa1: {  	s6 =	ssub.s32 $0x0, s20;
	[sflag:s22] =	ssyncset.done $0x0  }
0xa2: {  	[sflag:s22] =	ssyncadd.s32 s6;
	_ =	sdelay $0x1  }
0xa3: {  	s23 =	simm.s32 $0x1B8B  }
0xa4: {  	_ =	swait.ge [sflag:s23], $0x1  }
0xa5: {  	[sflag:s23] =	ssyncset.done $0x0  }
0xa6: {  	s25 =	simm.s32 $0x1B8E;
	s24 =	sld [smem:$0x3FFE];
	[sflag:s23] =	ssyncadd.s32 $0xFFFFFFFF  }
0xa7: {  	s26 =	simm.s32 $execute0_lowered;
	[smem:$0x3FD2] =	sst s25  }
0xa8: {  	s7 =	sshll.u32 s26, $0x1;
	_ =	strace $0x80000046;
	[dreg:$0x1] =	wrdreg $0xFFFFFFFF  }
0xa9: {  	s28 =	simm.s32 $_size_execute0_lowered;
	s5 =	sadd.s32 s5, s7;
	[dreg:$0x0] =	wrdreg $0x0  }
0xaa: {  	s7 =	sshll.u32 s28, $0x1;
	[dreg:$0x2] =	wrdreg s5  }
0xab: {  	[dreg:$0x3] =	wrdreg s7  }
0xac: {  	[dreg:$0x4] =	wrdreg $0xC0  }
0xad: {  	_ =	task [dreg:s9], $0x5FFFF  }
0xae: {  	[dreg:$0x1] =	wrdreg $0xFFFFFFFF  }
0xaf: {  	[dreg:$0x0] =	wrdreg $0x60  }
0xb0: {  	[dreg:$0x2] =	wrdreg s24  }
0xb1: {  	[dreg:$0x3] =	wrdreg s2  }
0xb2: {  	[dreg:$0x4] =	wrdreg s18  }
0xb3: {  	[dreg:$0x5] =	wrdreg s4  }
0xb4: {  	[dreg:$0x6] =	wrdreg $0x9  }
0xb5: {  	_ =	task.clear_ibuf [dreg:s9], $0x7FFFF;
	_ =	strace $0x90000046  }
0xb6: {  	s29 =	simm.s32 $0x9;
	_ =	strace $0x80000048  }
0xb7: {  	_ =	swait.ge [sflag:s29], $0x1  }
0xb8: {  	[sflag:s29] =	ssyncadd.s32 $0xFFFFFFFF  }
0xb9: {  	_ =	strace $0x90000048  }
0xba: {  	_ =	sfence  }
0xbb: {  	s30 =	sld [smem:$0x0];
	_ =	sdelay $0x2  }
0xbc: {  	s31 =	sshll.u32 s1, $0xD;
	s1 =	sshrl.u32 s1, $0x2  }
0xbd: {  	s3 =	sand.u32 $0x4000, s31;
	s1 =	sadd.s32 s1, s30  }
0xbe: {  	s0 =	sor.u32 s3, s0;
	s1 =	sshll.u32 s1, $0x11  }
0xbf: {  	s0 =	sor.u32 s1, s0  }
0xc0: {  	s0 =	sadd.s32 $0x8F2B, s0  }
0xc1: {  	[sflag:s0] =	ssyncadd.remote.s32 $0x1  }
0xc2: {  	_ =	sfence.sel $0xFFFF  }
0xc3: {  	[dreg:$0x0] =	wrdreg $0xFFFFFFFF;
	(pc) =	sbr.abs _section_cstart, $3  }
0xc4: {  	[dreg:$0x1] =	wrdreg $0xFFFFFFFF  }
0xc5: {  	_ =	task.clear_ibuf [dreg:s9], $0x2FFFF;
	_ =	strace $0x9FFFFFFF  }
0xc6: {  	(tm) =	ssettm $0x7FFFFFFF  }
0xc7: {  	_ =	shalt  }
tec
execute0_lowered:
.L_overlay_start_1:
0x0: {  	(tag) =	ssettag $0x1  }
0x1: {  	s9 =	rddreg [dreg:$0x0]  }
0x2: {  	s2 =	rddreg [dreg:$0x1]  }
0x3: {  	s3 =	rddreg [dreg:$0x2]  }
0x4: {  	s0 =	srdreg.scid;
	s4 =	rddreg [dreg:$0x3]  }
0x5: {  	s1 =	stileid.u32;
	s5 =	simm.s32 $0x0;
	s11 =	simm.s32 $0x100  }
0x6: {  	s12 =	simm.s32 $0x4100;
	s13 =	simm.s32 $0x5;
	s14 =	simm.s32 $0x80  }
0x7: {  	s15 =	simm.s32 $0x1;
	s16 =	simm.s32 $0x8100;
	s17 =	simm.s32 $0x2  }
0x8: {  	s18 =	simm.s32 $0x10100;
	s19 =	simm.s32 $0x3;
	s20 =	simm.s32 $0x4  }
0x9: {  	s21 =	simm.s32 $0x0;
	s7 =	sand.u32 $0x1, s0;
	s0 =	rddreg [dreg:$0x4]  }
.Ltmp0:
0xa: {  	s6 =	sshll.u32 s1, $0xC;
	s8 =	sshll.u32 s7, $0xB;
	(pc) =	sbr.rel .LBB2_1-.Ltmp0, $4  }
0xb: {  	[smem:$0x7FF] =	sst s5;
	s7 =	ssub.s32 $0x2, s7;
	s6 =	sor.u32 s8, s6  }
0xc: {  	_ =	strace $0x80000047;
	s10 =	sshrl.u32 s7, $0x1;
	s8 =	sshll.u32 s6, $0x4  }
0xd: {  	s10 =	ssub.s32 s7, s10;
	s8 =	sadd.s32 s8, s9;
	s9 =	sadd.s32 $0x1400, s9  }
0xe: {  	v0 =	vimm.f32 $0.0e+00;
	s10 =	smax.u32 s10, $0x1;
	s7 =	sadd.s32 $0x400, s8;
	s8 =	sadd.s32 $0xC00, s8  }
.LBB2_10:
0xf: {  	s21 =	sadd.s32 $0x1, s21  }
0x10: {  	_ =	swait.ge [sflag:s19], $0x8000;
	p0 =	sne.s32 s21, s10  }
.Ltmp1:
0x11: {  	[sflag:s19] =	ssyncset.done $0x0;
	(pc) =	sbr.rel @!p0 .LBB2_11-.Ltmp1, $4  }
0x12: {  	[sflag:s19] =	ssyncadd.s32 $0xFFFF8000  }
0x13: {  	_ =	swait.ge [sflag:s20], $0x8000  }
0x14: {  	[sflag:s20] =	ssyncset.done $0x0  }
0x15: {  	[sflag:s20] =	ssyncadd.s32 $0xFFFF8000  }
.LBB2_1:
0x16: {  	[tilespmem:s11], [sflag:$0x1] =	stream.linear.gather [hbm4b:s7+s5], $0x4000, $0x38;
	[tilespmem:$0x18100] =	vst v63  }
0x17: {  	_ = 	snop  }
0x18: {  	[tilespmem:s12], [sflag:$0x2] =	stream.linear.gather [hbm4b:s8+s5], $0x4000, $0x38;
	[tilespmem:$0x18100] =	vst v63  }
0x19: {  	_ = 	snop  }
0x1a: {  	[tilespmem:s5], [sflag:$0x5] =	stream.linear.gather [hbm4b:s3+s5], $0x80, $0x38;
	[tilespmem:$0x18100] =	vst v63  }
0x1b: {  	_ =	swait.ge [sflag:s13], $0x80  }
0x1c: {  	[sflag:s13] =	ssyncset.done $0x0  }
0x1d: {  	[sflag:s13] =	ssyncadd.s32 $0xFFFFFF80  }
0x1e: {  	[tilespmem:s14], [sflag:$0x5] =	stream.linear.gather [hbm4b:s2+s5], $0x80, $0x38;
	[tilespmem:$0x18100] =	vst v63  }
0x1f: {  	_ =	swait.ge [sflag:s13], $0x80  }
0x20: {  	[sflag:s13] =	ssyncset.done $0x0  }
0x21: {  	[sflag:s13] =	ssyncadd.s32 $0xFFFFFF80  }
0x22: {  	v6 =	vld [tilespmem:$0x0]  }
0x23: {  	v7 =	vld [tilespmem:$0x10]  }
0x24: {  	v10 =	vld [tilespmem:$0x20]  }
0x25: {  	v11 =	vld [tilespmem:$0x30]  }
0x26: {  	v1 =	vld [tilespmem:$0x80]  }
0x27: {  	s22 =	sand.u32 $0x7800, s5;
	s23 =	sand.u32 $0x380, s5;
	v2 =	vld [tilespmem:$0x90]  }
0x28: {  	s22 =	sor.u32 s23, s22;
	v3 =	vld [tilespmem:$0xA0]  }
0x29: {  	s23 =	sadd.s32 $0x8100, s22;
	v4 =	vld [tilespmem:$0xB0];
	[tilespmem:s22+$0x8100] =	vst v0  }
0x2a: {  	[tilespmem:s23+$0x8470] =	vst v0  }
0x2b: {  	[tilespmem:s23+$0x8000] =	vst v0  }
0x2c: {  	[tilespmem:s23+$0x8010] =	vst v0  }
0x2d: {  	[tilespmem:s23+$0x8020] =	vst v0  }
0x2e: {  	[tilespmem:s23+$0x8030] =	vst v0  }
0x2f: {  	[tilespmem:s23+$0x8040] =	vst v0  }
0x30: {  	[tilespmem:s23+$0x8050] =	vst v0  }
0x31: {  	[tilespmem:s23+$0x8060] =	vst v0  }
0x32: {  	[tilespmem:s23+$0x8070] =	vst v0  }
0x33: {  	[tilespmem:s23+$0x8400] =	vst v0  }
0x34: {  	[tilespmem:s23+$0x8410] =	vst v0  }
0x35: {  	[tilespmem:s23+$0x8420] =	vst v0  }
0x36: {  	[tilespmem:s23+$0x8430] =	vst v0  }
0x37: {  	[tilespmem:s23+$0x8440] =	vst v0  }
0x38: {  	[tilespmem:s23+$0x8450] =	vst v0  }
0x39: {  	[tilespmem:s23+$0x8460] =	vst v0  }
0x3a: {  	[tilespmem:s22+$0x8110] =	vst v0  }
0x3b: {  	[tilespmem:s22+$0x8120] =	vst v0  }
0x3c: {  	[tilespmem:s22+$0x8130] =	vst v0  }
0x3d: {  	[tilespmem:s22+$0x8140] =	vst v0  }
0x3e: {  	[tilespmem:s22+$0x8150] =	vst v0  }
0x3f: {  	[tilespmem:s22+$0x8160] =	vst v0  }
0x40: {  	[tilespmem:s22+$0x8170] =	vst v0  }
0x41: {  	[tilespmem:s22+$0x8500] =	vst v0  }
0x42: {  	[tilespmem:s22+$0x8510] =	vst v0  }
0x43: {  	[tilespmem:s22+$0x8520] =	vst v0  }
0x44: {  	[tilespmem:s22+$0x8530] =	vst v0  }
0x45: {  	[tilespmem:s22+$0x8540] =	vst v0  }
0x46: {  	s24 =	simm.s32 $0x100;
	[tilespmem:s22+$0x8550] =	vst v0;
	s23 =	simm.s32 $0x80  }
0x47: {  	s25 =	sand.u32 $0x7800, s24;
	s24 =	simm.s32 $0x200;
	[tilespmem:s22+$0x8560] =	vst v0;
	s26 =	sand.u32 $0x380, s23  }
.LBB2_2:
0x48: {  	p0 =	seq.s32 s24, $0x7F00;
	[tilespmem:s22+$0x8570] =	vst v0;
	s22 =	sor.u32 s26, s25  }
0x49: {  	s25 =	sadd.s32 $0x8100, s22;
	[tilespmem:s22+$0x8100] =	vst v0  }
0x4a: {  	[tilespmem:s25+$0x8470] =	vst v0  }
0x4b: {  	[tilespmem:s25+$0x8000] =	vst v0  }
0x4c: {  	[tilespmem:s25+$0x8010] =	vst v0  }
0x4d: {  	[tilespmem:s25+$0x8020] =	vst v0  }
0x4e: {  	[tilespmem:s25+$0x8030] =	vst v0  }
0x4f: {  	[tilespmem:s25+$0x8040] =	vst v0  }
0x50: {  	[tilespmem:s25+$0x8050] =	vst v0  }
0x51: {  	[tilespmem:s25+$0x8060] =	vst v0  }
0x52: {  	[tilespmem:s25+$0x8070] =	vst v0  }
0x53: {  	[tilespmem:s25+$0x8400] =	vst v0  }
0x54: {  	[tilespmem:s25+$0x8410] =	vst v0  }
0x55: {  	[tilespmem:s25+$0x8420] =	vst v0  }
0x56: {  	[tilespmem:s25+$0x8430] =	vst v0  }
0x57: {  	[tilespmem:s25+$0x8440] =	vst v0  }
0x58: {  	[tilespmem:s25+$0x8450] =	vst v0  }
0x59: {  	[tilespmem:s25+$0x8460] =	vst v0  }
0x5a: {  	[tilespmem:s22+$0x8110] =	vst v0  }
0x5b: {  	[tilespmem:s22+$0x8120] =	vst v0  }
0x5c: {  	[tilespmem:s22+$0x8130] =	vst v0  }
0x5d: {  	[tilespmem:s22+$0x8140] =	vst v0  }
0x5e: {  	[tilespmem:s22+$0x8150] =	vst v0  }
0x5f: {  	[tilespmem:s22+$0x8160] =	vst v0  }
0x60: {  	[tilespmem:s22+$0x8170] =	vst v0  }
0x61: {  	[tilespmem:s22+$0x8500] =	vst v0  }
0x62: {  	[tilespmem:s22+$0x8510] =	vst v0  }
.Ltmp2:
0x63: {  	[tilespmem:s22+$0x8520] =	vst v0;
	(pc) =	sbr.rel @!p0 .LBB2_2-.Ltmp2, $4  }
0x64: {  	[tilespmem:s22+$0x8530] =	vst v0  }
0x65: {  	[tilespmem:s22+$0x8540] =	vst v0  }
0x66: {  	s23 =	sadd.s32 $0x80, s23;
	[tilespmem:s22+$0x8550] =	vst v0  }
0x67: {  	s26 =	sand.u32 $0x380, s23;
	s25 =	sand.u32 $0x7800, s24;
	s24 =	sadd.s32 $0x100, s24;
	[tilespmem:s22+$0x8560] =	vst v0  }
0x68: {  	s23 =	sor.u32 s26, s25;
	[tilespmem:s22+$0x8570] =	vst v0  }
0x69: {  	[tilespmem:s23+$0x8100] =	vst v0  }
0x6a: {  	[tilespmem:s23+$0x8110] =	vst v0  }
0x6b: {  	[tilespmem:s23+$0x8120] =	vst v0  }
0x6c: {  	[tilespmem:s23+$0x8130] =	vst v0  }
0x6d: {  	[tilespmem:s23+$0x8140] =	vst v0  }
0x6e: {  	[tilespmem:s23+$0x8150] =	vst v0  }
0x6f: {  	[tilespmem:s23+$0x8160] =	vst v0  }
0x70: {  	[tilespmem:s23+$0x8170] =	vst v0  }
0x71: {  	[tilespmem:s23+$0x8500] =	vst v0  }
0x72: {  	[tilespmem:s23+$0x8510] =	vst v0  }
0x73: {  	[tilespmem:s23+$0x8520] =	vst v0  }
0x74: {  	[tilespmem:s23+$0x8530] =	vst v0  }
0x75: {  	[tilespmem:s23+$0x8540] =	vst v0  }
0x76: {  	[tilespmem:s23+$0x8550] =	vst v0  }
0x77: {  	[tilespmem:s23+$0x8560] =	vst v0  }
0x78: {  	s31 =	sadd.s32 $0x8100, s23;
	[tilespmem:s23+$0x8570] =	vst v0  }
0x79: {  	[tilespmem:s31+$0x8470] =	vst v0  }
0x7a: {  	[tilespmem:s31+$0x8000] =	vst v0  }
0x7b: {  	[tilespmem:s31+$0x8010] =	vst v0  }
0x7c: {  	[tilespmem:s31+$0x8020] =	vst v0  }
0x7d: {  	[tilespmem:s31+$0x8030] =	vst v0  }
0x7e: {  	[tilespmem:s31+$0x8040] =	vst v0  }
0x7f: {  	[tilespmem:s31+$0x8050] =	vst v0  }
0x80: {  	[tilespmem:s31+$0x8060] =	vst v0  }
0x81: {  	[tilespmem:s31+$0x8070] =	vst v0  }
0x82: {  	[tilespmem:s31+$0x8400] =	vst v0  }
0x83: {  	[tilespmem:s31+$0x8410] =	vst v0  }
0x84: {  	[tilespmem:s31+$0x8420] =	vst v0  }
0x85: {  	v5 =	vand.u32 $0x7F, v6;
	v6 =	vshll.u32 v6, $0x3;
	v8 =	vshll.u32 v7, $0x3;
	[tilespmem:s31+$0x8430] =	vst v0  }
0x86: {  	v7 =	vand.u32 $0x7F, v7;
	v9 =	vand.u32 $0x7F, v10;
	v10 =	vshll.u32 v10, $0x3;
	[tilespmem:s31+$0x8440] =	vst v0  }
0x87: {  	v12 =	vshll.u32 v11, $0x3;
	v11 =	vand.u32 $0x7F, v11;
	v6 =	vand.u32 $0xFFFFFC00, v6;
	[tilespmem:s31+$0x8450] =	vst v0  }
0x88: {  	s22 =	simm.s32 $0x0;
	v8 =	vand.u32 $0xFFFFFC00, v8;
	v10 =	vand.u32 $0xFFFFFC00, v10;
	v12 =	vand.u32 $0xFFFFFC00, v12;
	s23 =	simm.s32 $0x0;
	[tilespmem:s31+$0x8460] =	vst v0  }
.LBB2_4:
0x89: {  	_ =	swait.ge [sflag:s15], $0x4000  }
0x8a: {  	p0 =	seq.s32 s23, $0x0;
	[sflag:s15] =	ssyncset.done $0x0  }
0x8b: {  	s24 =	simm.s32 @!p0 $0x3;
	[sflag:s15] =	ssyncadd.s32 $0xFFFFC000  }
0x8c: {  	v13 =	vmov s22;
	_ =	swait.ge @!p0 [sflag:s24], $0x8000  }
0x8d: {  	v14 =	vshll.u32 v13, $0x8;
	[sflag:s24] =	ssyncset.done @!p0 $0x0  }
0x8e: {  	s25 =	simm.s32 $0x200;
	v13 =	vshll.u32 v13, $0x7;
	v14 =	vand.u32 $0x7800, v14;
	[sflag:s24] =	ssyncadd.s32 @!p0 $0xFFFF8000  }
0x8f: {  	v13 =	vand.u32 $0x200, v13;
	v16 =	vadd.s32 v6, v14;
	v15 =	vld [tilespmem:s25+$0xFFFFFF00]  }
0x90: {  	v16 =	vor.u32 v13, v16  }
0x91: {  	v16 =	vor.u32 v5, v16;
	_ =	sdelay $0x2  }
0x92: {  	v15 =	vmul.f32 v15, v1;
	_ =	sdelay $0x1  }
0x93: {  	[tilespmem:v16+s16+$0x0] =	vst.idx.msk $0xffff, v15  }
0x94: {  	v15 =	vadd.s32 v8, v14;
	v16 =	vld [tilespmem:s25+$0xFFFFFF10]  }
0x95: {  	v15 =	vor.u32 v13, v15  }
0x96: {  	v15 =	vor.u32 v7, v15;
	_ =	sdelay $0x2  }
0x97: {  	v16 =	vmul.f32 v16, v2;
	_ =	sdelay $0x1  }
0x98: {  	[tilespmem:v15+s16+$0x0] =	vst.idx.msk $0xffff, v16  }
0x99: {  	v15 =	vadd.s32 v10, v14;
	v16 =	vld [tilespmem:s25+$0xFFFFFF20]  }
0x9a: {  	v15 =	vor.u32 v13, v15  }
0x9b: {  	v15 =	vor.u32 v9, v15;
	_ =	sdelay $0x2  }
0x9c: {  	v16 =	vmul.f32 v16, v3;
	_ =	sdelay $0x1  }
0x9d: {  	[tilespmem:v15+s16+$0x0] =	vst.idx.msk $0xffff, v16  }
0x9e: {  	v14 =	vadd.s32 v12, v14;
	v15 =	vld [tilespmem:s25+$0xFFFFFF30]  }
0x9f: {  	v13 =	vor.u32 v13, v14  }
0xa0: {  	v13 =	vor.u32 v11, v13;
	_ =	sdelay $0x1  }
0xa1: {  	s26 =	simm.s32 $0x1  }
0xa2: {  	v14 =	vmul.f32 v15, v4;
	v15 =	vmov s26  }
0xa3: {  	v16 =	vshll.u32 v15, $0x8  }
0xa4: {  	v15 =	vshll.u32 v15, $0x7;
	[tilespmem:v13+s16+$0x0] =	vst.idx.msk $0xffff, v14;
	v13 =	vand.u32 $0x7800, v16  }
0xa5: {  	v15 =	vand.u32 $0x280, v15;
	v14 =	vld [tilespmem:s25+$0xFFFFFF80];
	v16 =	vadd.s32 v6, v13  }
0xa6: {  	v16 =	vor.u32 v15, v16  }
0xa7: {  	v16 =	vor.u32 v5, v16;
	_ =	sdelay $0x2  }
0xa8: {  	v14 =	vmul.f32 v14, v1;
	_ =	sdelay $0x1  }
0xa9: {  	[tilespmem:v16+s16+$0x0] =	vst.idx.msk $0xffff, v14  }
0xaa: {  	v14 =	vadd.s32 v8, v13;
	v16 =	vld [tilespmem:s25+$0xFFFFFF90]  }
0xab: {  	v14 =	vor.u32 v15, v14  }
0xac: {  	v14 =	vor.u32 v7, v14;
	_ =	sdelay $0x2  }
0xad: {  	v16 =	vmul.f32 v16, v2;
	_ =	sdelay $0x1  }
0xae: {  	[tilespmem:v14+s16+$0x0] =	vst.idx.msk $0xffff, v16  }
0xaf: {  	v14 =	vadd.s32 v10, v13;
	v16 =	vld [tilespmem:s25+$0xFFFFFFA0]  }
0xb0: {  	v14 =	vor.u32 v15, v14  }
0xb1: {  	v14 =	vor.u32 v9, v14;
	_ =	sdelay $0x2  }
0xb2: {  	v16 =	vmul.f32 v16, v3;
	_ =	sdelay $0x1  }
0xb3: {  	[tilespmem:v14+s16+$0x0] =	vst.idx.msk $0xffff, v16  }
0xb4: {  	v13 =	vadd.s32 v12, v13;
	v14 =	vld [tilespmem:s25+$0xFFFFFFB0]  }
0xb5: {  	v13 =	vor.u32 v15, v13  }
0xb6: {  	v13 =	vor.u32 v11, v13;
	_ =	sdelay $0x1  }
0xb7: {  	s29 =	simm.s32 $0x2  }
0xb8: {  	v15 =	vmov s29;
	v14 =	vmul.f32 v14, v4  }
0xb9: {  	v16 =	vshll.u32 v15, $0x8  }
0xba: {  	v15 =	vshll.u32 v15, $0x7;
	[tilespmem:v13+s16+$0x0] =	vst.idx.msk $0xffff, v14;
	v13 =	vand.u32 $0x7800, v16  }
0xbb: {  	v15 =	vand.u32 $0x300, v15;
	v14 =	vld [tilespmem:s25+$0x0];
	v16 =	vadd.s32 v6, v13  }
0xbc: {  	v16 =	vor.u32 v15, v16  }
0xbd: {  	v16 =	vor.u32 v5, v16;
	_ =	sdelay $0x2  }
0xbe: {  	v14 =	vmul.f32 v14, v1;
	_ =	sdelay $0x1  }
0xbf: {  	[tilespmem:v16+s16+$0x0] =	vst.idx.msk $0xffff, v14  }
0xc0: {  	v14 =	vadd.s32 v8, v13;
	v16 =	vld [tilespmem:s25+$0x10]  }
0xc1: {  	v14 =	vor.u32 v15, v14  }
0xc2: {  	v14 =	vor.u32 v7, v14;
	_ =	sdelay $0x2  }
0xc3: {  	v16 =	vmul.f32 v16, v2;
	_ =	sdelay $0x1  }
0xc4: {  	[tilespmem:v14+s16+$0x0] =	vst.idx.msk $0xffff, v16  }
0xc5: {  	v14 =	vadd.s32 v10, v13;
	v16 =	vld [tilespmem:s25+$0x20]  }
0xc6: {  	v14 =	vor.u32 v15, v14  }
0xc7: {  	v14 =	vor.u32 v9, v14;
	_ =	sdelay $0x2  }
0xc8: {  	v16 =	vmul.f32 v16, v3;
	_ =	sdelay $0x1  }
0xc9: {  	[tilespmem:v14+s16+$0x0] =	vst.idx.msk $0xffff, v16  }
0xca: {  	v13 =	vadd.s32 v12, v13;
	v14 =	vld [tilespmem:s25+$0x30]  }
0xcb: {  	v13 =	vor.u32 v15, v13  }
0xcc: {  	v13 =	vor.u32 v11, v13;
	_ =	sdelay $0x1  }
0xcd: {  	s30 =	simm.s32 $0x3  }
0xce: {  	v15 =	vmov s30;
	v14 =	vmul.f32 v14, v4  }
0xcf: {  	v16 =	vshll.u32 v15, $0x8  }
0xd0: {  	v15 =	vshll.u32 v15, $0x7;
	[tilespmem:v13+s16+$0x0] =	vst.idx.msk $0xffff, v14;
	v13 =	vand.u32 $0x7800, v16  }
0xd1: {  	v15 =	vand.u32 $0x380, v15;
	v14 =	vld [tilespmem:s25+$0x80];
	v16 =	vadd.s32 v6, v13  }
0xd2: {  	v16 =	vor.u32 v15, v16  }
0xd3: {  	v16 =	vor.u32 v5, v16;
	_ =	sdelay $0x2  }
0xd4: {  	v14 =	vmul.f32 v14, v1;
	_ =	sdelay $0x1  }
0xd5: {  	[tilespmem:v16+s16+$0x0] =	vst.idx.msk $0xffff, v14  }
0xd6: {  	v14 =	vadd.s32 v8, v13;
	v16 =	vld [tilespmem:s25+$0x90]  }
0xd7: {  	v14 =	vor.u32 v15, v14  }
0xd8: {  	v14 =	vor.u32 v7, v14;
	_ =	sdelay $0x2  }
0xd9: {  	v16 =	vmul.f32 v16, v2;
	_ =	sdelay $0x1  }
0xda: {  	[tilespmem:v14+s16+$0x0] =	vst.idx.msk $0xffff, v16  }
0xdb: {  	v14 =	vadd.s32 v10, v13;
	v16 =	vld [tilespmem:s25+$0xA0]  }
0xdc: {  	v14 =	vor.u32 v15, v14  }
0xdd: {  	v14 =	vor.u32 v9, v14;
	_ =	sdelay $0x2  }
0xde: {  	v16 =	vmul.f32 v16, v3;
	_ =	sdelay $0x1  }
0xdf: {  	[tilespmem:v14+s16+$0x0] =	vst.idx.msk $0xffff, v16  }
0xe0: {  	v13 =	vadd.s32 v12, v13;
	v14 =	vld [tilespmem:s25+$0xB0]  }
0xe1: {  	v13 =	vor.u32 v15, v13  }
0xe2: {  	v13 =	vor.u32 v11, v13  }
0xe3: {  	s26 =	simm.s32 $0x4  }
0xe4: {  	s31 =	sshll.u32 s23, $0x8;
	v17 =	vmov s26  }
0xe5: {  	s28 =	simm.s32 $0x8;
	s24 =	sor.u32 s6, s31;
	v16 =	vshll.u32 v17, $0x8;
	v15 =	vmul.f32 v14, v4;
	v14 =	vshll.u32 v17, $0x7  }
.LBB2_5:
0xe6: {  	p1 =	sne.s32 s28, $0x7C  }
0xe7: {  	v16 =	vand.u32 $0x7800, v16;
	[tilespmem:v13+s16+$0x0] =	vst.idx.msk $0xffff, v15;
	s25 =	sadd.s32 $0x200, s25;
	s29 =	smov.u32 s28;
	s28 =	sadd.s32 $0x4, s28  }
0xe8: {  	v14 =	vand.u32 $0x200, v14;
	v13 =	vld [tilespmem:s25+$0xFFFFFF00];
	v15 =	vadd.s32 v6, v16;
	v17 =	vadd.s32 v8, v16  }
0xe9: {  	v18 =	vadd.s32 v10, v16;
	v15 =	vor.u32 v14, v15;
	v17 =	vor.u32 v14, v17  }
0xea: {  	v16 =	vadd.s32 v12, v16;
	v18 =	vor.u32 v14, v18;
	v15 =	vor.u32 v5, v15  }
0xeb: {  	v14 =	vor.u32 v14, v16;
	_ =	sdelay $0x1  }
0xec: {  	v13 =	vmul.f32 v13, v1;
	_ =	sdelay $0x1  }
0xed: {  	[tilespmem:v15+s16+$0x0] =	vst.idx.msk $0xffff, v13  }
0xee: {  	v13 =	vld [tilespmem:s25+$0xFFFFFF10];
	_ =	sdelay $0x1  }
0xef: {  	v15 =	vor.u32 v7, v17;
	_ =	sdelay $0x2  }
0xf0: {  	v13 =	vmul.f32 v13, v2;
	_ =	sdelay $0x1  }
0xf1: {  	[tilespmem:v15+s16+$0x0] =	vst.idx.msk $0xffff, v13  }
0xf2: {  	v13 =	vld [tilespmem:s25+$0xFFFFFF20];
	_ =	sdelay $0x1  }
0xf3: {  	v15 =	vor.u32 v9, v18;
	_ =	sdelay $0x2  }
0xf4: {  	v13 =	vmul.f32 v13, v3;
	_ =	sdelay $0x1  }
0xf5: {  	[tilespmem:v15+s16+$0x0] =	vst.idx.msk $0xffff, v13  }
0xf6: {  	v13 =	vld [tilespmem:s25+$0xFFFFFF30];
	_ =	sdelay $0x1  }
0xf7: {  	v14 =	vor.u32 v11, v14;
	_ =	sdelay $0x1  }
0xf8: {  	s30 =	sadd.s32 $0x1, s26  }
0xf9: {  	v15 =	vmov s30;
	v13 =	vmul.f32 v13, v4  }
0xfa: {  	v16 =	vshll.u32 v15, $0x8;
	v15 =	vshll.u32 v15, $0x7  }
0xfb: {  	[tilespmem:v14+s16+$0x0] =	vst.idx.msk $0xffff, v13;
	v13 =	vand.u32 $0x7800, v16  }
0xfc: {  	v15 =	vand.u32 $0x280, v15;
	v14 =	vld [tilespmem:s25+$0xFFFFFF80];
	v16 =	vadd.s32 v6, v13;
	v17 =	vadd.s32 v8, v13  }
0xfd: {  	v18 =	vadd.s32 v10, v13;
	v16 =	vor.u32 v15, v16;
	v17 =	vor.u32 v15, v17  }
0xfe: {  	v13 =	vadd.s32 v12, v13;
	v18 =	vor.u32 v15, v18;
	v16 =	vor.u32 v5, v16  }
0xff: {  	v13 =	vor.u32 v15, v13;
	_ =	sdelay $0x1  }
0x100: {  	v14 =	vmul.f32 v14, v1;
	_ =	sdelay $0x1  }
0x101: {  	[tilespmem:v16+s16+$0x0] =	vst.idx.msk $0xffff, v14  }
0x102: {  	v14 =	vld [tilespmem:s25+$0xFFFFFF90];
	_ =	sdelay $0x1  }
0x103: {  	v15 =	vor.u32 v7, v17;
	_ =	sdelay $0x2  }
0x104: {  	v14 =	vmul.f32 v14, v2;
	_ =	sdelay $0x1  }
0x105: {  	[tilespmem:v15+s16+$0x0] =	vst.idx.msk $0xffff, v14  }
0x106: {  	v14 =	vld [tilespmem:s25+$0xFFFFFFA0];
	_ =	sdelay $0x1  }
0x107: {  	v15 =	vor.u32 v9, v18;
	_ =	sdelay $0x2  }
0x108: {  	v14 =	vmul.f32 v14, v3;
	_ =	sdelay $0x1  }
0x109: {  	[tilespmem:v15+s16+$0x0] =	vst.idx.msk $0xffff, v14  }
0x10a: {  	v14 =	vld [tilespmem:s25+$0xFFFFFFB0];
	_ =	sdelay $0x1  }
0x10b: {  	v13 =	vor.u32 v11, v13;
	_ =	sdelay $0x1  }
0x10c: {  	s30 =	sadd.s32 $0x2, s26  }
0x10d: {  	v15 =	vmov s30;
	v14 =	vmul.f32 v14, v4  }
0x10e: {  	v16 =	vshll.u32 v15, $0x8;
	v15 =	vshll.u32 v15, $0x7  }
0x10f: {  	[tilespmem:v13+s16+$0x0] =	vst.idx.msk $0xffff, v14;
	v13 =	vand.u32 $0x7800, v16  }
0x110: {  	v15 =	vand.u32 $0x300, v15;
	v14 =	vld [tilespmem:s25+$0x0];
	v16 =	vadd.s32 v6, v13;
	v17 =	vadd.s32 v8, v13  }
0x111: {  	v18 =	vadd.s32 v10, v13;
	v16 =	vor.u32 v15, v16;
	v17 =	vor.u32 v15, v17  }
0x112: {  	v13 =	vadd.s32 v12, v13;
	v18 =	vor.u32 v15, v18;
	v16 =	vor.u32 v5, v16  }
0x113: {  	v13 =	vor.u32 v15, v13;
	_ =	sdelay $0x1  }
0x114: {  	v14 =	vmul.f32 v14, v1;
	_ =	sdelay $0x1  }
0x115: {  	[tilespmem:v16+s16+$0x0] =	vst.idx.msk $0xffff, v14  }
0x116: {  	v14 =	vld [tilespmem:s25+$0x10];
	_ =	sdelay $0x1  }
0x117: {  	v15 =	vor.u32 v7, v17;
	_ =	sdelay $0x2  }
0x118: {  	v14 =	vmul.f32 v14, v2;
	_ =	sdelay $0x1  }
0x119: {  	[tilespmem:v15+s16+$0x0] =	vst.idx.msk $0xffff, v14  }
0x11a: {  	v14 =	vld [tilespmem:s25+$0x20];
	_ =	sdelay $0x1  }
0x11b: {  	v15 =	vor.u32 v9, v18;
	_ =	sdelay $0x2  }
0x11c: {  	v14 =	vmul.f32 v14, v3;
	_ =	sdelay $0x1  }
0x11d: {  	[tilespmem:v15+s16+$0x0] =	vst.idx.msk $0xffff, v14  }
0x11e: {  	v14 =	vld [tilespmem:s25+$0x30];
	_ =	sdelay $0x1  }
0x11f: {  	v13 =	vor.u32 v11, v13;
	_ =	sdelay $0x1  }
0x120: {  	s30 =	sadd.s32 $0x3, s26;
	s26 =	smov.u32 s29  }
0x121: {  	v15 =	vmov s30;
	v14 =	vmul.f32 v14, v4  }
0x122: {  	v16 =	vshll.u32 v15, $0x8;
	v15 =	vshll.u32 v15, $0x7  }
0x123: {  	[tilespmem:v13+s16+$0x0] =	vst.idx.msk $0xffff, v14;
	v13 =	vand.u32 $0x7800, v16  }
0x124: {  	v15 =	vand.u32 $0x380, v15;
	v14 =	vld [tilespmem:s25+$0x80];
	v16 =	vadd.s32 v6, v13;
	v17 =	vadd.s32 v8, v13  }
0x125: {  	v18 =	vadd.s32 v10, v13;
	v16 =	vor.u32 v15, v16;
	v17 =	vor.u32 v15, v17  }
0x126: {  	v13 =	vadd.s32 v12, v13;
	v18 =	vor.u32 v15, v18;
	v16 =	vor.u32 v5, v16  }
0x127: {  	v13 =	vor.u32 v15, v13;
	_ =	sdelay $0x1  }
0x128: {  	v14 =	vmul.f32 v14, v1;
	_ =	sdelay $0x1  }
0x129: {  	[tilespmem:v16+s16+$0x0] =	vst.idx.msk $0xffff, v14  }
0x12a: {  	v14 =	vld [tilespmem:s25+$0x90];
	_ =	sdelay $0x1  }
0x12b: {  	v15 =	vor.u32 v7, v17;
	_ =	sdelay $0x2  }
0x12c: {  	v14 =	vmul.f32 v14, v2;
	_ =	sdelay $0x1  }
0x12d: {  	[tilespmem:v15+s16+$0x0] =	vst.idx.msk $0xffff, v14  }
0x12e: {  	v14 =	vld [tilespmem:s25+$0xA0];
	_ =	sdelay $0x1  }
0x12f: {  	v15 =	vor.u32 v9, v18;
	_ =	sdelay $0x2  }
0x130: {  	v14 =	vmul.f32 v14, v3;
	_ =	sdelay $0x1  }
0x131: {  	[tilespmem:v15+s16+$0x0] =	vst.idx.msk $0xffff, v14  }
0x132: {  	v14 =	vld [tilespmem:s25+$0xB0];
	_ =	sdelay $0x1  }
.Ltmp3:
0x133: {  	v13 =	vor.u32 v11, v13;
	(pc) =	sbr.rel @p1 .LBB2_5-.Ltmp3, $3  }
0x134: {  	_ =	sdelay $0x1  }
0x135: {  	v17 =	vmov s26;
	v15 =	vmul.f32 v14, v4  }
0x136: {  	v16 =	vshll.u32 v17, $0x8;
	v14 =	vshll.u32 v17, $0x7  }
0x137: {  	_ =	sdelay $0x3  }
0x138: {  	v16 =	vand.u32 $0x7800, v16;
	[tilespmem:v13+s16+$0x0] =	vst.idx.msk $0xffff, v15;
	s25 =	sadd.s32 $0x200, s25  }
0x139: {  	v14 =	vand.u32 $0x200, v14;
	v13 =	vld [tilespmem:s25+$0xFFFFFF00];
	v15 =	vadd.s32 v6, v16  }
0x13a: {  	v15 =	vor.u32 v14, v15  }
0x13b: {  	v15 =	vor.u32 v5, v15;
	_ =	sdelay $0x2  }
0x13c: {  	v13 =	vmul.f32 v13, v1;
	_ =	sdelay $0x1  }
0x13d: {  	[tilespmem:v15+s16+$0x0] =	vst.idx.msk $0xffff, v13  }
0x13e: {  	v13 =	vadd.s32 v8, v16;
	v15 =	vld [tilespmem:s25+$0xFFFFFF10]  }
0x13f: {  	v13 =	vor.u32 v14, v13  }
0x140: {  	v13 =	vor.u32 v7, v13;
	_ =	sdelay $0x2  }
0x141: {  	v15 =	vmul.f32 v15, v2;
	_ =	sdelay $0x1  }
0x142: {  	[tilespmem:v13+s16+$0x0] =	vst.idx.msk $0xffff, v15  }
0x143: {  	v13 =	vadd.s32 v10, v16;
	v15 =	vld [tilespmem:s25+$0xFFFFFF20]  }
0x144: {  	v13 =	vor.u32 v14, v13  }
0x145: {  	v13 =	vor.u32 v9, v13;
	_ =	sdelay $0x2  }
0x146: {  	v15 =	vmul.f32 v15, v3;
	_ =	sdelay $0x1  }
0x147: {  	[tilespmem:v13+s16+$0x0] =	vst.idx.msk $0xffff, v15  }
0x148: {  	v13 =	vadd.s32 v12, v16;
	v15 =	vld [tilespmem:s25+$0xFFFFFF30]  }
0x149: {  	v13 =	vor.u32 v14, v13  }
0x14a: {  	v13 =	vor.u32 v11, v13;
	_ =	sdelay $0x1  }
0x14b: {  	s28 =	sadd.s32 $0x1, s26  }
0x14c: {  	v14 =	vmul.f32 v15, v4;
	v15 =	vmov s28  }
0x14d: {  	v16 =	vshll.u32 v15, $0x8  }
0x14e: {  	v15 =	vshll.u32 v15, $0x7;
	[tilespmem:v13+s16+$0x0] =	vst.idx.msk $0xffff, v14;
	v13 =	vand.u32 $0x7800, v16  }
0x14f: {  	v15 =	vand.u32 $0x280, v15;
	v14 =	vld [tilespmem:s25+$0xFFFFFF80];
	v16 =	vadd.s32 v6, v13  }
0x150: {  	v16 =	vor.u32 v15, v16  }
0x151: {  	v16 =	vor.u32 v5, v16;
	_ =	sdelay $0x2  }
0x152: {  	v14 =	vmul.f32 v14, v1;
	_ =	sdelay $0x1  }
0x153: {  	[tilespmem:v16+s16+$0x0] =	vst.idx.msk $0xffff, v14  }
0x154: {  	v14 =	vadd.s32 v8, v13;
	v16 =	vld [tilespmem:s25+$0xFFFFFF90]  }
0x155: {  	v14 =	vor.u32 v15, v14  }
0x156: {  	v14 =	vor.u32 v7, v14;
	_ =	sdelay $0x2  }
0x157: {  	v16 =	vmul.f32 v16, v2;
	_ =	sdelay $0x1  }
0x158: {  	[tilespmem:v14+s16+$0x0] =	vst.idx.msk $0xffff, v16  }
0x159: {  	v14 =	vadd.s32 v10, v13;
	v16 =	vld [tilespmem:s25+$0xFFFFFFA0]  }
0x15a: {  	v14 =	vor.u32 v15, v14  }
0x15b: {  	v14 =	vor.u32 v9, v14;
	_ =	sdelay $0x2  }
0x15c: {  	v16 =	vmul.f32 v16, v3;
	_ =	sdelay $0x1  }
0x15d: {  	[tilespmem:v14+s16+$0x0] =	vst.idx.msk $0xffff, v16  }
0x15e: {  	v13 =	vadd.s32 v12, v13;
	v14 =	vld [tilespmem:s25+$0xFFFFFFB0]  }
0x15f: {  	v13 =	vor.u32 v15, v13  }
0x160: {  	v13 =	vor.u32 v11, v13;
	_ =	sdelay $0x1  }
0x161: {  	s28 =	sadd.s32 $0x2, s26  }
0x162: {  	v15 =	vmov s28;
	v14 =	vmul.f32 v14, v4  }
0x163: {  	v16 =	vshll.u32 v15, $0x8  }
0x164: {  	v15 =	vshll.u32 v15, $0x7;
	[tilespmem:v13+s16+$0x0] =	vst.idx.msk $0xffff, v14;
	v13 =	vand.u32 $0x7800, v16  }
0x165: {  	v15 =	vand.u32 $0x300, v15;
	v14 =	vld [tilespmem:s25+$0x0];
	v16 =	vadd.s32 v6, v13  }
0x166: {  	v16 =	vor.u32 v15, v16  }
0x167: {  	v16 =	vor.u32 v5, v16;
	_ =	sdelay $0x2  }
0x168: {  	v14 =	vmul.f32 v14, v1;
	_ =	sdelay $0x1  }
0x169: {  	[tilespmem:v16+s16+$0x0] =	vst.idx.msk $0xffff, v14  }
0x16a: {  	v14 =	vadd.s32 v8, v13;
	v16 =	vld [tilespmem:s25+$0x10]  }
0x16b: {  	v14 =	vor.u32 v15, v14  }
0x16c: {  	v14 =	vor.u32 v7, v14;
	_ =	sdelay $0x2  }
0x16d: {  	v16 =	vmul.f32 v16, v2;
	_ =	sdelay $0x1  }
0x16e: {  	[tilespmem:v14+s16+$0x0] =	vst.idx.msk $0xffff, v16  }
0x16f: {  	v14 =	vadd.s32 v10, v13;
	v16 =	vld [tilespmem:s25+$0x20]  }
0x170: {  	v14 =	vor.u32 v15, v14  }
0x171: {  	v14 =	vor.u32 v9, v14;
	_ =	sdelay $0x2  }
0x172: {  	v16 =	vmul.f32 v16, v3;
	_ =	sdelay $0x1  }
0x173: {  	[tilespmem:v14+s16+$0x0] =	vst.idx.msk $0xffff, v16  }
0x174: {  	v13 =	vadd.s32 v12, v13;
	v14 =	vld [tilespmem:s25+$0x30]  }
0x175: {  	v13 =	vor.u32 v15, v13  }
0x176: {  	v13 =	vor.u32 v11, v13;
	_ =	sdelay $0x1  }
0x177: {  	s31 =	sadd.s32 $0x3, s26  }
0x178: {  	v15 =	vmov s31;
	v14 =	vmul.f32 v14, v4  }
0x179: {  	v16 =	vshll.u32 v15, $0x8  }
0x17a: {  	v15 =	vshll.u32 v15, $0x7;
	[tilespmem:v13+s16+$0x0] =	vst.idx.msk $0xffff, v14;
	v13 =	vand.u32 $0x7800, v16  }
0x17b: {  	v15 =	vand.u32 $0x380, v15;
	v14 =	vld [tilespmem:s25+$0x80];
	v16 =	vadd.s32 v6, v13  }
0x17c: {  	v16 =	vor.u32 v15, v16  }
0x17d: {  	v16 =	vor.u32 v5, v16;
	_ =	sdelay $0x2  }
0x17e: {  	v14 =	vmul.f32 v14, v1;
	_ =	sdelay $0x1  }
0x17f: {  	[tilespmem:v16+s16+$0x0] =	vst.idx.msk $0xffff, v14  }
0x180: {  	v14 =	vadd.s32 v8, v13;
	v16 =	vld [tilespmem:s25+$0x90]  }
0x181: {  	v14 =	vor.u32 v15, v14  }
0x182: {  	v14 =	vor.u32 v7, v14;
	_ =	sdelay $0x2  }
0x183: {  	v16 =	vmul.f32 v16, v2;
	_ =	sdelay $0x1  }
0x184: {  	[tilespmem:v14+s16+$0x0] =	vst.idx.msk $0xffff, v16  }
0x185: {  	v14 =	vadd.s32 v10, v13;
	v16 =	vld [tilespmem:s25+$0xA0]  }
0x186: {  	v14 =	vor.u32 v15, v14  }
0x187: {  	v14 =	vor.u32 v9, v14;
	_ =	sdelay $0x2  }
0x188: {  	v16 =	vmul.f32 v16, v3;
	_ =	sdelay $0x1  }
0x189: {  	[tilespmem:v14+s16+$0x0] =	vst.idx.msk $0xffff, v16  }
0x18a: {  	v13 =	vadd.s32 v12, v13;
	v14 =	vld [tilespmem:s25+$0xB0]  }
0x18b: {  	v13 =	vor.u32 v15, v13  }
0x18c: {  	v13 =	vor.u32 v11, v13;
	_ =	sdelay $0x2  }
0x18d: {  	v14 =	vmul.f32 v14, v4  }
0x18e: {  	s29 =	sshll.u32 s24, $0x5  }
0x18f: {  	p1 =	seq.s32 s23, $0x7;
	s25 =	sadd.s32 s4, s29;
	[tilespmem:v13+s16+$0x0] =	vst.idx.msk $0xffff, v14  }
0x190: {  	[hbm4b:s25+s5] =	stream.linear.scatter [tilespmem:s16], [sflag:$0x3], $0x8000, $0x38;
	[tilespmem:$0x18100] =	vst v63  }
0x191: {  	s25 =	sshll.u32 @!p1 s24, $0x4  }
0x192: {  	s26 =	simm.s32 @!p1 $0x0;
	s28 =	simm.s32 @!p1 $0x100;
	s25 =	sadd.s32 @!p1 s25, s9  }
0x193: {  	[tilespmem:s28], [sflag:$0x1] =	stream.linear.gather @!p1 [hbm4b:s25+s26], $0x4000, $0x38;
	[tilespmem:$0x18100] =	vst v63  }
0x194: {  	_ =	swait.ge [sflag:s17], $0x4000  }
0x195: {  	[sflag:s17] =	ssyncset.done $0x0  }
0x196: {  	s30 =	simm.s32 $0x0;
	s25 =	simm.s32 @!p0 $0x4;
	[sflag:s17] =	ssyncadd.s32 $0xFFFFC000  }
0x197: {  	v13 =	vmov s30;
	_ =	swait.ge @!p0 [sflag:s25], $0x8000  }
0x198: {  	v14 =	vshll.u32 v13, $0x8;
	[sflag:s25] =	ssyncset.done @!p0 $0x0  }
0x199: {  	v13 =	vshll.u32 v13, $0x7;
	v14 =	vand.u32 $0x7800, v14;
	[sflag:s25] =	ssyncadd.s32 @!p0 $0xFFFF8000;
	s25 =	simm.s32 $0x0  }
0x19a: {  	v13 =	vand.u32 $0x200, v13;
	v16 =	vadd.s32 v6, v14;
	v15 =	vld [tilespmem:s25+$0x4100]  }
0x19b: {  	v16 =	vor.u32 v13, v16  }
0x19c: {  	v16 =	vor.u32 v5, v16;
	_ =	sdelay $0x2  }
0x19d: {  	v15 =	vmul.f32 v15, v1;
	_ =	sdelay $0x1  }
0x19e: {  	[tilespmem:v16+s18+$0x0] =	vst.idx.msk $0xffff, v15  }
0x19f: {  	v15 =	vadd.s32 v8, v14;
	v16 =	vld [tilespmem:s25+$0x4110]  }
0x1a0: {  	v15 =	vor.u32 v13, v15  }
0x1a1: {  	v15 =	vor.u32 v7, v15;
	_ =	sdelay $0x2  }
0x1a2: {  	v16 =	vmul.f32 v16, v2;
	_ =	sdelay $0x1  }
0x1a3: {  	[tilespmem:v15+s18+$0x0] =	vst.idx.msk $0xffff, v16  }
0x1a4: {  	v15 =	vadd.s32 v10, v14;
	v16 =	vld [tilespmem:s25+$0x4120]  }
0x1a5: {  	v15 =	vor.u32 v13, v15  }
0x1a6: {  	v15 =	vor.u32 v9, v15;
	_ =	sdelay $0x2  }
0x1a7: {  	v16 =	vmul.f32 v16, v3;
	_ =	sdelay $0x1  }
0x1a8: {  	[tilespmem:v15+s18+$0x0] =	vst.idx.msk $0xffff, v16  }
0x1a9: {  	v14 =	vadd.s32 v12, v14;
	v15 =	vld [tilespmem:s25+$0x4130]  }
0x1aa: {  	v13 =	vor.u32 v13, v14  }
0x1ab: {  	v13 =	vor.u32 v11, v13;
	_ =	sdelay $0x1  }
0x1ac: {  	s31 =	simm.s32 $0x1  }
0x1ad: {  	v14 =	vmul.f32 v15, v4;
	v15 =	vmov s31  }
0x1ae: {  	v16 =	vshll.u32 v15, $0x8  }
0x1af: {  	v15 =	vshll.u32 v15, $0x7;
	[tilespmem:v13+s18+$0x0] =	vst.idx.msk $0xffff, v14;
	v13 =	vand.u32 $0x7800, v16  }
0x1b0: {  	v15 =	vand.u32 $0x280, v15;
	v14 =	vld [tilespmem:s25+$0x4180];
	v16 =	vadd.s32 v6, v13  }
0x1b1: {  	v16 =	vor.u32 v15, v16  }
0x1b2: {  	v16 =	vor.u32 v5, v16;
	_ =	sdelay $0x2  }
0x1b3: {  	v14 =	vmul.f32 v14, v1;
	_ =	sdelay $0x1  }
0x1b4: {  	[tilespmem:v16+s18+$0x0] =	vst.idx.msk $0xffff, v14  }
0x1b5: {  	v14 =	vadd.s32 v8, v13;
	v16 =	vld [tilespmem:s25+$0x4190]  }
0x1b6: {  	v14 =	vor.u32 v15, v14  }
0x1b7: {  	v14 =	vor.u32 v7, v14;
	_ =	sdelay $0x2  }
0x1b8: {  	v16 =	vmul.f32 v16, v2;
	_ =	sdelay $0x1  }
0x1b9: {  	[tilespmem:v14+s18+$0x0] =	vst.idx.msk $0xffff, v16  }
0x1ba: {  	v14 =	vadd.s32 v10, v13;
	v16 =	vld [tilespmem:s25+$0x41A0]  }
0x1bb: {  	v14 =	vor.u32 v15, v14  }
0x1bc: {  	v14 =	vor.u32 v9, v14;
	_ =	sdelay $0x2  }
0x1bd: {  	v16 =	vmul.f32 v16, v3;
	_ =	sdelay $0x1  }
0x1be: {  	[tilespmem:v14+s18+$0x0] =	vst.idx.msk $0xffff, v16  }
0x1bf: {  	v13 =	vadd.s32 v12, v13;
	v14 =	vld [tilespmem:s25+$0x41B0]  }
0x1c0: {  	v13 =	vor.u32 v15, v13  }
0x1c1: {  	v13 =	vor.u32 v11, v13;
	_ =	sdelay $0x1  }
0x1c2: {  	s29 =	simm.s32 $0x2  }
0x1c3: {  	v15 =	vmov s29;
	v14 =	vmul.f32 v14, v4  }
0x1c4: {  	v16 =	vshll.u32 v15, $0x8  }
0x1c5: {  	v15 =	vshll.u32 v15, $0x7;
	[tilespmem:v13+s18+$0x0] =	vst.idx.msk $0xffff, v14;
	v13 =	vand.u32 $0x7800, v16  }
0x1c6: {  	v15 =	vand.u32 $0x300, v15;
	v14 =	vld [tilespmem:s25+$0x4200];
	v16 =	vadd.s32 v6, v13  }
0x1c7: {  	v16 =	vor.u32 v15, v16  }
0x1c8: {  	v16 =	vor.u32 v5, v16;
	_ =	sdelay $0x2  }
0x1c9: {  	v14 =	vmul.f32 v14, v1;
	_ =	sdelay $0x1  }
0x1ca: {  	[tilespmem:v16+s18+$0x0] =	vst.idx.msk $0xffff, v14  }
0x1cb: {  	v14 =	vadd.s32 v8, v13;
	v16 =	vld [tilespmem:s25+$0x4210]  }
0x1cc: {  	v14 =	vor.u32 v15, v14  }
0x1cd: {  	v14 =	vor.u32 v7, v14;
	_ =	sdelay $0x2  }
0x1ce: {  	v16 =	vmul.f32 v16, v2;
	_ =	sdelay $0x1  }
0x1cf: {  	[tilespmem:v14+s18+$0x0] =	vst.idx.msk $0xffff, v16  }
0x1d0: {  	v14 =	vadd.s32 v10, v13;
	v16 =	vld [tilespmem:s25+$0x4220]  }
0x1d1: {  	v14 =	vor.u32 v15, v14  }
0x1d2: {  	v14 =	vor.u32 v9, v14;
	_ =	sdelay $0x2  }
0x1d3: {  	v16 =	vmul.f32 v16, v3;
	_ =	sdelay $0x1  }
0x1d4: {  	[tilespmem:v14+s18+$0x0] =	vst.idx.msk $0xffff, v16  }
0x1d5: {  	v13 =	vadd.s32 v12, v13;
	v14 =	vld [tilespmem:s25+$0x4230]  }
0x1d6: {  	v13 =	vor.u32 v15, v13  }
0x1d7: {  	v13 =	vor.u32 v11, v13;
	_ =	sdelay $0x1  }
0x1d8: {  	s30 =	simm.s32 $0x3  }
0x1d9: {  	v15 =	vmov s30;
	v14 =	vmul.f32 v14, v4  }
0x1da: {  	v16 =	vshll.u32 v15, $0x8  }
0x1db: {  	v15 =	vshll.u32 v15, $0x7;
	[tilespmem:v13+s18+$0x0] =	vst.idx.msk $0xffff, v14;
	v13 =	vand.u32 $0x7800, v16  }
0x1dc: {  	v15 =	vand.u32 $0x380, v15;
	v14 =	vld [tilespmem:s25+$0x4280];
	v16 =	vadd.s32 v6, v13  }
0x1dd: {  	v16 =	vor.u32 v15, v16  }
0x1de: {  	v16 =	vor.u32 v5, v16;
	_ =	sdelay $0x2  }
0x1df: {  	v14 =	vmul.f32 v14, v1;
	_ =	sdelay $0x1  }
0x1e0: {  	[tilespmem:v16+s18+$0x0] =	vst.idx.msk $0xffff, v14  }
0x1e1: {  	v14 =	vadd.s32 v8, v13;
	v16 =	vld [tilespmem:s25+$0x4290]  }
0x1e2: {  	v14 =	vor.u32 v15, v14  }
0x1e3: {  	v14 =	vor.u32 v7, v14;
	_ =	sdelay $0x2  }
0x1e4: {  	v16 =	vmul.f32 v16, v2;
	_ =	sdelay $0x1  }
0x1e5: {  	[tilespmem:v14+s18+$0x0] =	vst.idx.msk $0xffff, v16  }
0x1e6: {  	v14 =	vadd.s32 v10, v13;
	v16 =	vld [tilespmem:s25+$0x42A0]  }
0x1e7: {  	v14 =	vor.u32 v15, v14  }
0x1e8: {  	v14 =	vor.u32 v9, v14;
	_ =	sdelay $0x2  }
0x1e9: {  	v16 =	vmul.f32 v16, v3;
	_ =	sdelay $0x1  }
0x1ea: {  	[tilespmem:v14+s18+$0x0] =	vst.idx.msk $0xffff, v16  }
0x1eb: {  	v13 =	vadd.s32 v12, v13;
	v14 =	vld [tilespmem:s25+$0x42B0]  }
0x1ec: {  	v13 =	vor.u32 v15, v13  }
0x1ed: {  	v13 =	vor.u32 v11, v13;
	_ =	sdelay $0x1  }
0x1ee: {  	s31 =	simm.s32 $0x4  }
0x1ef: {  	s24 =	sor.u32 $0x80, s24;
	v17 =	vmov s31;
	v15 =	vmul.f32 v14, v4  }
0x1f0: {  	s28 =	simm.s32 $0x1000;
	s26 =	simm.s32 $0x7;
	v16 =	vshll.u32 v17, $0x8;
	s25 =	simm.s32 $0x200;
	v14 =	vshll.u32 v17, $0x7  }
.LBB2_7:
0x1f1: {  	s29 =	sshra.s32 s28, $0x2;
	p0 =	sne.s32 s28, $0xF800;
	s28 =	sadd.s32 $0x800, s28;
	v16 =	vand.u32 $0x7800, v16;
	[tilespmem:v13+s18+$0x0] =	vst.idx.msk $0xffff, v15  }
0x1f2: {  	v14 =	vand.u32 $0x200, v14;
	v13 =	vld [tilespmem:s25+$0x4100];
	v15 =	vadd.s32 v6, v16;
	v17 =	vadd.s32 v8, v16  }
0x1f3: {  	v18 =	vadd.s32 v10, v16;
	v15 =	vor.u32 v14, v15;
	v17 =	vor.u32 v14, v17  }
0x1f4: {  	v16 =	vadd.s32 v12, v16;
	v18 =	vor.u32 v14, v18;
	v15 =	vor.u32 v5, v15  }
0x1f5: {  	v14 =	vor.u32 v14, v16;
	_ =	sdelay $0x1  }
0x1f6: {  	v13 =	vmul.f32 v13, v1;
	_ =	sdelay $0x1  }
0x1f7: {  	[tilespmem:v15+s18+$0x0] =	vst.idx.msk $0xffff, v13  }
0x1f8: {  	v13 =	vld [tilespmem:s25+$0x4110];
	_ =	sdelay $0x1  }
0x1f9: {  	v15 =	vor.u32 v7, v17;
	_ =	sdelay $0x2  }
0x1fa: {  	v13 =	vmul.f32 v13, v2;
	_ =	sdelay $0x1  }
0x1fb: {  	[tilespmem:v15+s18+$0x0] =	vst.idx.msk $0xffff, v13  }
0x1fc: {  	v13 =	vld [tilespmem:s25+$0x4120];
	_ =	sdelay $0x1  }
0x1fd: {  	v15 =	vor.u32 v9, v18;
	_ =	sdelay $0x2  }
0x1fe: {  	v13 =	vmul.f32 v13, v3;
	_ =	sdelay $0x1  }
0x1ff: {  	[tilespmem:v15+s18+$0x0] =	vst.idx.msk $0xffff, v13  }
0x200: {  	v13 =	vld [tilespmem:s25+$0x4130];
	_ =	sdelay $0x1  }
0x201: {  	v14 =	vor.u32 v11, v14;
	_ =	sdelay $0x1  }
0x202: {  	s30 =	sadd.s32 $0xFFFFFFFE, s26  }
0x203: {  	v15 =	vmov s30;
	v13 =	vmul.f32 v13, v4  }
0x204: {  	v16 =	vshll.u32 v15, $0x8;
	v15 =	vshll.u32 v15, $0x7  }
0x205: {  	[tilespmem:v14+s18+$0x0] =	vst.idx.msk $0xffff, v13;
	v13 =	vand.u32 $0x7800, v16  }
0x206: {  	v15 =	vand.u32 $0x280, v15;
	v14 =	vld [tilespmem:s25+$0x4180];
	v16 =	vadd.s32 v6, v13;
	v17 =	vadd.s32 v8, v13  }
0x207: {  	v18 =	vadd.s32 v10, v13;
	v16 =	vor.u32 v15, v16;
	v17 =	vor.u32 v15, v17  }
0x208: {  	v13 =	vadd.s32 v12, v13;
	v18 =	vor.u32 v15, v18;
	v16 =	vor.u32 v5, v16  }
0x209: {  	v13 =	vor.u32 v15, v13;
	_ =	sdelay $0x1  }
0x20a: {  	v14 =	vmul.f32 v14, v1;
	_ =	sdelay $0x1  }
0x20b: {  	[tilespmem:v16+s18+$0x0] =	vst.idx.msk $0xffff, v14  }
0x20c: {  	v14 =	vld [tilespmem:s25+$0x4190];
	_ =	sdelay $0x1  }
0x20d: {  	v15 =	vor.u32 v7, v17;
	_ =	sdelay $0x2  }
0x20e: {  	v14 =	vmul.f32 v14, v2;
	_ =	sdelay $0x1  }
0x20f: {  	[tilespmem:v15+s18+$0x0] =	vst.idx.msk $0xffff, v14  }
0x210: {  	v14 =	vld [tilespmem:s25+$0x41A0];
	_ =	sdelay $0x1  }
0x211: {  	v15 =	vor.u32 v9, v18;
	_ =	sdelay $0x2  }
0x212: {  	v14 =	vmul.f32 v14, v3;
	_ =	sdelay $0x1  }
0x213: {  	[tilespmem:v15+s18+$0x0] =	vst.idx.msk $0xffff, v14  }
0x214: {  	v14 =	vld [tilespmem:s25+$0x41B0];
	_ =	sdelay $0x1  }
0x215: {  	v13 =	vor.u32 v11, v13;
	_ =	sdelay $0x1  }
0x216: {  	s30 =	sadd.s32 $0xFFFFFFFF, s26  }
0x217: {  	v15 =	vmov s30;
	v14 =	vmul.f32 v14, v4  }
0x218: {  	v16 =	vshll.u32 v15, $0x8;
	v15 =	vshll.u32 v15, $0x7  }
0x219: {  	[tilespmem:v13+s18+$0x0] =	vst.idx.msk $0xffff, v14;
	v13 =	vand.u32 $0x7800, v16  }
0x21a: {  	v15 =	vand.u32 $0x300, v15;
	v14 =	vld [tilespmem:s25+$0x4200];
	v16 =	vadd.s32 v6, v13;
	v17 =	vadd.s32 v8, v13  }
0x21b: {  	v18 =	vadd.s32 v10, v13;
	v16 =	vor.u32 v15, v16;
	v17 =	vor.u32 v15, v17  }
0x21c: {  	v13 =	vadd.s32 v12, v13;
	v18 =	vor.u32 v15, v18;
	v16 =	vor.u32 v5, v16  }
0x21d: {  	v13 =	vor.u32 v15, v13;
	_ =	sdelay $0x1  }
0x21e: {  	v14 =	vmul.f32 v14, v1;
	_ =	sdelay $0x1  }
0x21f: {  	[tilespmem:v16+s18+$0x0] =	vst.idx.msk $0xffff, v14  }
0x220: {  	v14 =	vld [tilespmem:s25+$0x4210];
	_ =	sdelay $0x1  }
0x221: {  	v15 =	vor.u32 v7, v17;
	_ =	sdelay $0x2  }
0x222: {  	v14 =	vmul.f32 v14, v2;
	_ =	sdelay $0x1  }
0x223: {  	[tilespmem:v15+s18+$0x0] =	vst.idx.msk $0xffff, v14  }
0x224: {  	v14 =	vld [tilespmem:s25+$0x4220];
	_ =	sdelay $0x1  }
0x225: {  	v15 =	vor.u32 v9, v18;
	_ =	sdelay $0x2  }
0x226: {  	v14 =	vmul.f32 v14, v3;
	_ =	sdelay $0x1  }
0x227: {  	[tilespmem:v15+s18+$0x0] =	vst.idx.msk $0xffff, v14  }
0x228: {  	v14 =	vld [tilespmem:s25+$0x4230];
	_ =	sdelay $0x1  }
0x229: {  	v13 =	vor.u32 v11, v13;
	_ =	sdelay $0x2  }
0x22a: {  	v15 =	vmov s26;
	v14 =	vmul.f32 v14, v4  }
0x22b: {  	v16 =	vshll.u32 v15, $0x8;
	v15 =	vshll.u32 v15, $0x7  }
0x22c: {  	[tilespmem:v13+s18+$0x0] =	vst.idx.msk $0xffff, v14;
	v13 =	vand.u32 $0x7800, v16  }
0x22d: {  	v15 =	vand.u32 $0x380, v15;
	v14 =	vld [tilespmem:s25+$0x4280];
	v16 =	vadd.s32 v6, v13;
	v17 =	vadd.s32 v8, v13  }
0x22e: {  	v18 =	vadd.s32 v10, v13;
	v16 =	vor.u32 v15, v16;
	v17 =	vor.u32 v15, v17  }
0x22f: {  	v13 =	vadd.s32 v12, v13;
	v18 =	vor.u32 v15, v18;
	v16 =	vor.u32 v5, v16  }
0x230: {  	v13 =	vor.u32 v15, v13;
	_ =	sdelay $0x1  }
0x231: {  	v14 =	vmul.f32 v14, v1;
	_ =	sdelay $0x1  }
0x232: {  	[tilespmem:v16+s18+$0x0] =	vst.idx.msk $0xffff, v14  }
0x233: {  	v14 =	vld [tilespmem:s25+$0x4290];
	_ =	sdelay $0x1  }
0x234: {  	v15 =	vor.u32 v7, v17;
	_ =	sdelay $0x2  }
0x235: {  	v14 =	vmul.f32 v14, v2;
	_ =	sdelay $0x1  }
0x236: {  	[tilespmem:v15+s18+$0x0] =	vst.idx.msk $0xffff, v14  }
0x237: {  	v14 =	vld [tilespmem:s25+$0x42A0];
	_ =	sdelay $0x1  }
0x238: {  	v15 =	vor.u32 v9, v18;
	_ =	sdelay $0x2  }
0x239: {  	v14 =	vmul.f32 v14, v3;
	_ =	sdelay $0x1  }
0x23a: {  	[tilespmem:v15+s18+$0x0] =	vst.idx.msk $0xffff, v14  }
0x23b: {  	v14 =	vld [tilespmem:s25+$0x42B0];
	s25 =	smov.u32 s29;
	_ =	sdelay $0x1  }
.Ltmp4:
0x23c: {  	v13 =	vor.u32 v11, v13;
	(pc) =	sbr.rel @p0 .LBB2_7-.Ltmp4, $4  }
0x23d: {  	s26 =	sadd.s32 $0x4, s26  }
0x23e: {  	s29 =	sadd.s32 $0xFFFFFFFD, s26  }
0x23f: {  	v17 =	vmov s29;
	v15 =	vmul.f32 v14, v4  }
0x240: {  	v16 =	vshll.u32 v17, $0x8;
	v14 =	vshll.u32 v17, $0x7  }
0x241: {  	_ =	sdelay $0x3  }
0x242: {  	v16 =	vand.u32 $0x7800, v16;
	[tilespmem:v13+s18+$0x0] =	vst.idx.msk $0xffff, v15  }
0x243: {  	v14 =	vand.u32 $0x200, v14;
	v13 =	vld [tilespmem:s25+$0x4100];
	v15 =	vadd.s32 v6, v16  }
0x244: {  	v15 =	vor.u32 v14, v15  }
0x245: {  	v15 =	vor.u32 v5, v15;
	_ =	sdelay $0x2  }
0x246: {  	v13 =	vmul.f32 v13, v1;
	_ =	sdelay $0x1  }
0x247: {  	[tilespmem:v15+s18+$0x0] =	vst.idx.msk $0xffff, v13  }
0x248: {  	v13 =	vadd.s32 v8, v16;
	v15 =	vld [tilespmem:s25+$0x4110]  }
0x249: {  	v13 =	vor.u32 v14, v13  }
0x24a: {  	v13 =	vor.u32 v7, v13;
	_ =	sdelay $0x2  }
0x24b: {  	v15 =	vmul.f32 v15, v2;
	_ =	sdelay $0x1  }
0x24c: {  	[tilespmem:v13+s18+$0x0] =	vst.idx.msk $0xffff, v15  }
0x24d: {  	v13 =	vadd.s32 v10, v16;
	v15 =	vld [tilespmem:s25+$0x4120]  }
0x24e: {  	v13 =	vor.u32 v14, v13  }
0x24f: {  	v13 =	vor.u32 v9, v13;
	_ =	sdelay $0x2  }
0x250: {  	v15 =	vmul.f32 v15, v3;
	_ =	sdelay $0x1  }
0x251: {  	[tilespmem:v13+s18+$0x0] =	vst.idx.msk $0xffff, v15  }
0x252: {  	v13 =	vadd.s32 v12, v16;
	v15 =	vld [tilespmem:s25+$0x4130]  }
0x253: {  	v13 =	vor.u32 v14, v13  }
0x254: {  	v13 =	vor.u32 v11, v13;
	_ =	sdelay $0x1  }
0x255: {  	s28 =	sadd.s32 $0xFFFFFFFE, s26  }
0x256: {  	v14 =	vmul.f32 v15, v4;
	v15 =	vmov s28  }
0x257: {  	v61 =	vshll.u32 v15, $0x8  }
0x258: {  	v15 =	vshll.u32 v15, $0x7;
	[tilespmem:v13+s18+$0x0] =	vst.idx.msk $0xffff, v14;
	v13 =	vand.u32 $0x7800, v61  }
0x259: {  	v15 =	vand.u32 $0x280, v15;
	v14 =	vld [tilespmem:s25+$0x4180];
	v16 =	vadd.s32 v6, v13  }
0x25a: {  	v16 =	vor.u32 v15, v16  }
0x25b: {  	v16 =	vor.u32 v5, v16;
	_ =	sdelay $0x2  }
0x25c: {  	v14 =	vmul.f32 v14, v1;
	_ =	sdelay $0x1  }
0x25d: {  	[tilespmem:v16+s18+$0x0] =	vst.idx.msk $0xffff, v14  }
0x25e: {  	v14 =	vadd.s32 v8, v13;
	v16 =	vld [tilespmem:s25+$0x4190]  }
0x25f: {  	v14 =	vor.u32 v15, v14  }
0x260: {  	v14 =	vor.u32 v7, v14;
	_ =	sdelay $0x2  }
0x261: {  	v16 =	vmul.f32 v16, v2;
	_ =	sdelay $0x1  }
0x262: {  	[tilespmem:v14+s18+$0x0] =	vst.idx.msk $0xffff, v16  }
0x263: {  	v14 =	vadd.s32 v10, v13;
	v16 =	vld [tilespmem:s25+$0x41A0]  }
0x264: {  	v14 =	vor.u32 v15, v14  }
0x265: {  	v14 =	vor.u32 v9, v14;
	_ =	sdelay $0x2  }
0x266: {  	v16 =	vmul.f32 v16, v3;
	_ =	sdelay $0x1  }
0x267: {  	[tilespmem:v14+s18+$0x0] =	vst.idx.msk $0xffff, v16  }
0x268: {  	v13 =	vadd.s32 v12, v13;
	v14 =	vld [tilespmem:s25+$0x41B0]  }
0x269: {  	v13 =	vor.u32 v15, v13  }
0x26a: {  	v13 =	vor.u32 v11, v13;
	_ =	sdelay $0x1  }
0x26b: {  	s30 =	sadd.s32 $0xFFFFFFFF, s26  }
0x26c: {  	v15 =	vmov s30;
	v14 =	vmul.f32 v14, v4  }
0x26d: {  	v62 =	vshll.u32 v15, $0x8  }
0x26e: {  	v15 =	vshll.u32 v15, $0x7;
	[tilespmem:v13+s18+$0x0] =	vst.idx.msk $0xffff, v14;
	v13 =	vand.u32 $0x7800, v62  }
0x26f: {  	v15 =	vand.u32 $0x300, v15;
	v14 =	vld [tilespmem:s25+$0x4200];
	v16 =	vadd.s32 v6, v13  }
0x270: {  	v16 =	vor.u32 v15, v16  }
0x271: {  	v16 =	vor.u32 v5, v16;
	_ =	sdelay $0x2  }
0x272: {  	v14 =	vmul.f32 v14, v1;
	_ =	sdelay $0x1  }
0x273: {  	[tilespmem:v16+s18+$0x0] =	vst.idx.msk $0xffff, v14  }
0x274: {  	v14 =	vadd.s32 v8, v13;
	v16 =	vld [tilespmem:s25+$0x4210]  }
0x275: {  	v14 =	vor.u32 v15, v14  }
0x276: {  	v14 =	vor.u32 v7, v14;
	_ =	sdelay $0x2  }
0x277: {  	v16 =	vmul.f32 v16, v2;
	_ =	sdelay $0x1  }
0x278: {  	[tilespmem:v14+s18+$0x0] =	vst.idx.msk $0xffff, v16  }
0x279: {  	v14 =	vadd.s32 v10, v13;
	v16 =	vld [tilespmem:s25+$0x4220]  }
0x27a: {  	v14 =	vor.u32 v15, v14  }
0x27b: {  	v14 =	vor.u32 v9, v14;
	_ =	sdelay $0x2  }
0x27c: {  	v16 =	vmul.f32 v16, v3;
	_ =	sdelay $0x1  }
0x27d: {  	[tilespmem:v14+s18+$0x0] =	vst.idx.msk $0xffff, v16  }
0x27e: {  	v13 =	vadd.s32 v12, v13;
	v14 =	vld [tilespmem:s25+$0x4230]  }
0x27f: {  	v13 =	vor.u32 v15, v13  }
0x280: {  	v13 =	vor.u32 v11, v13;
	_ =	sdelay $0x2  }
0x281: {  	v15 =	vmov s26;
	v14 =	vmul.f32 v14, v4  }
0x282: {  	v63 =	vshll.u32 v15, $0x8  }
0x283: {  	v15 =	vshll.u32 v15, $0x7;
	[tilespmem:v13+s18+$0x0] =	vst.idx.msk $0xffff, v14;
	v13 =	vand.u32 $0x7800, v63  }
0x284: {  	v15 =	vand.u32 $0x380, v15;
	v14 =	vld [tilespmem:s25+$0x4280];
	v16 =	vadd.s32 v6, v13  }
0x285: {  	v16 =	vor.u32 v15, v16  }
0x286: {  	v16 =	vor.u32 v5, v16;
	_ =	sdelay $0x2  }
0x287: {  	v14 =	vmul.f32 v14, v1;
	_ =	sdelay $0x1  }
0x288: {  	[tilespmem:v16+s18+$0x0] =	vst.idx.msk $0xffff, v14  }
0x289: {  	v14 =	vadd.s32 v8, v13;
	v16 =	vld [tilespmem:s25+$0x4290]  }
0x28a: {  	v14 =	vor.u32 v15, v14  }
0x28b: {  	v14 =	vor.u32 v7, v14;
	_ =	sdelay $0x2  }
0x28c: {  	v16 =	vmul.f32 v16, v2;
	_ =	sdelay $0x1  }
0x28d: {  	[tilespmem:v14+s18+$0x0] =	vst.idx.msk $0xffff, v16  }
0x28e: {  	v14 =	vadd.s32 v10, v13;
	v16 =	vld [tilespmem:s25+$0x42A0]  }
0x28f: {  	v14 =	vor.u32 v15, v14  }
0x290: {  	v14 =	vor.u32 v9, v14;
	_ =	sdelay $0x2  }
0x291: {  	v16 =	vmul.f32 v16, v3;
	_ =	sdelay $0x1  }
0x292: {  	[tilespmem:v14+s18+$0x0] =	vst.idx.msk $0xffff, v16  }
0x293: {  	v13 =	vadd.s32 v12, v13;
	v14 =	vld [tilespmem:s25+$0x42B0]  }
0x294: {  	v13 =	vor.u32 v15, v13  }
0x295: {  	v13 =	vor.u32 v11, v13;
	_ =	sdelay $0x1  }
.Ltmp5:
0x296: {  	_ = 	snop;
	(pc) =	sbr.rel @p1 .LBB2_10-.Ltmp5, $4  }
0x297: {  	v14 =	vmul.f32 v14, v4  }
0x298: {  	s31 =	sshll.u32 s24, $0x5  }
0x299: {  	s25 =	sadd.s32 s4, s31;
	[tilespmem:v13+s18+$0x0] =	vst.idx.msk $0xffff, v14  }
0x29a: {  	[hbm4b:s25+s5] =	stream.linear.scatter [tilespmem:s18], [sflag:$0x4], $0x8000, $0x38;
	[tilespmem:$0x18100] =	vst v63  }
.Ltmp6:
0x29b: {  	(pc) =	sbr.rel .LBB2_4-.Ltmp6, $4  }
0x29c: {  	_ = 	snop  }
0x29d: {  	s24 =	sshll.u32 s24, $0x4  }
0x29e: {  	s23 =	sadd.s32 $0x1, s23;
	s24 =	sadd.s32 s24, s9  }
0x29f: {  	[tilespmem:s12], [sflag:$0x2] =	stream.linear.gather [hbm4b:s24+s5], $0x4000, $0x38;
	[tilespmem:$0x18100] =	vst v63  }
.LBB2_11:
0x2a0: {  	_ =	sfence.sel $0x180000  }
0x2a1: {  	[bflag:$0x0] =	sbarrier.arrive $0xFFFF  }
0x2a2: {  	p0 =	sne.s32 s1, $0x0;
	_ =	strace $0x90000047  }
0x2a3: {  	s0 =	sadd.s32 @!p0 $0x100000, s0;
	[bflag:$0x2] =	sbarrier.arrive $0xFFFF  }
0x2a4: {  	[sflag:s0] =	ssyncadd.tile.s32 @!p0 $0x1;
	_ =	shalt  }
.Lfunc_end2:
_tile_overlayer_lowered:
.L_overlay_start_2:
0x2a5: {  	(tag) =	ssettag $0x2  }
0x2a6: {  	s0 =	rddreg [dreg:$0x0];
	s2 =	stileid.u32  }
0x2a7: {  	s1 =	rddreg [dreg:$0x1];
	p0 =	sne.s32 s2, $0x0  }
0x2a8: {  	s3 =	rddreg [dreg:$0x2];
	[bflag:$0x3] =	sbarrier.arrive $0xFFFF;
	s2 =	simm.s32 @!p0 $0x1C05  }
0x2a9: {  	[timem:s3], [sflag:s2] =	dma.local @!p0 [hbm:s0], s1  }
0x2aa: {  	s0 =	simm.s32 @!p0 $0x5  }
0x2ab: {  	_ =	swait.ge @!p0 [sflag:s0], s1  }
0x2ac: {  	s1 =	ssub.s32 @!p0 $0x0, s1;
	[sflag:s0] =	ssyncset.done @!p0 $0x0  }
0x2ad: {  	[sflag:s0] =	ssyncadd.s32 @!p0 s1  }
0x2ae: {  	[bflag:$0x3] =	sbarrier.arrive $0xFFFF  }
0x2af: {  	_ =	shalt  }

</sc_bundles>
